<compile_context>
chip_gen: v7x
topology: tpu7x:2x2x1
jax: 0.10.2.dev20260603
libtpu: 0.0.44.dev20260713+nightly
codegen_flags: <defaults>
</compile_context>

<pallas_src>
import functools

import jax
import jax.numpy as jnp
from jax import lax
from jax.experimental import pallas as pl
from jax.experimental.pallas import tpu as pltpu
from jax.experimental.pallas import tpu_sc as plsc

N = 10000
E = 320000
D = 128
HD = 64
G = 64
OUT = 64

CHUNK = 128
CPT = 160
NBUF = 5
EP = 16 * CPT * CHUNK
NPAD = 10112

BR = 1000
NB = N // BR

_mesh = plsc.VectorSubcoreMesh(core_axis_name="c", subcore_axis_name="s",
                               num_cores=2, num_subcores=16)


@functools.partial(
    pl.kernel,
    out_type=jax.ShapeDtypeStruct((2, NPAD, HD), jnp.float32),
    mesh=_mesh,
    scratch_types=[
        pltpu.VMEM((CPT * CHUNK,), jnp.int32),
        pltpu.VMEM((CPT, CHUNK), jnp.int32),
        [pltpu.VMEM((CHUNK, HD), jnp.float32) for _ in range(NBUF)],
        pltpu.VMEM_SHARED((NPAD, HD), jnp.float32),
        [pltpu.SemaphoreType.DMA for _ in range(NBUF)],
    ],
    compiler_params=pltpu.CompilerParams(use_tc_tiling_on_sc=False),
)
def _sc_aggregate(h2_hbm, src_hbm, dst_hbm, zero_hbm, out_hbm,
                  src_v, dst_v, bufs, acc_sh, sems):
    cid = lax.axis_index("c")
    sid = lax.axis_index("s")
    rpt = NPAD // 16
    half = h2_hbm.at[cid]
    pltpu.sync_copy(zero_hbm.at[pl.ds(sid * rpt, rpt)],
                    acc_sh.at[pl.ds(sid * rpt, rpt)])
    pltpu.sync_copy(src_hbm.at[sid], src_v)
    pltpu.sync_copy(dst_hbm.at[sid], dst_v)
    plsc.subcore_barrier()

    def fire(c, b):
        pltpu.async_copy(half.at[src_v.at[pl.ds(c * CHUNK, CHUNK)]],
                         bufs[b], sems[b])

    for b in range(NBUF):
        fire(b, b)

    def group(g, carry):
        c0 = NBUF * g
        for b in range(NBUF):
            c = c0 + b
            pltpu.make_async_copy(half.at[src_v.at[pl.ds(c * CHUNK, CHUNK)]],
                                  bufs[b], sems[b]).wait()
            pltpu.sync_copy(bufs[b], acc_sh.at[dst_v.at[c]], add=True)

            @pl.when(c + NBUF < CPT)
            def _(c=c, b=b):
                fire(c + NBUF, b)
        return carry

    lax.fori_loop(0, CPT // NBUF, group, 0)
    plsc.subcore_barrier()
    pltpu.sync_copy(acc_sh.at[pl.ds(sid * rpt, rpt)],
                    out_hbm.at[cid, pl.ds(sid * rpt, rpt)])


def _mlp_body(x2_ref, a_ref, w1_ref, b1_ref, w2_ref, b2_ref,
              act_ref, sum_ref, sq_ref):
    i = pl.program_id(0)
    h = (jnp.concatenate([x2_ref[0], x2_ref[1]], axis=-1)
         + jnp.concatenate([a_ref[0], a_ref[1]], axis=-1))
    z = jnp.dot(h, w1_ref[...], preferred_element_type=jnp.float32)
    z = jnp.maximum(z + b1_ref[...], 0.0)
    z = jnp.dot(z, w2_ref[...], preferred_element_type=jnp.float32)
    z = jnp.maximum(z + b2_ref[...], 0.0)
    act_ref[...] = z

    @pl.when(i == 0)
    def _init():
        sum_ref[...] = jnp.zeros_like(sum_ref)
        sq_ref[...] = jnp.zeros_like(sq_ref)

    sum_ref[...] += jnp.sum(z, axis=0, keepdims=True)
    sq_ref[...] += jnp.sum(z * z, axis=0, keepdims=True)


def _mlp(x2, agg, w1, b1, w2, b2):
    return pl.pallas_call(
        _mlp_body,
        grid=(NB,),
        in_specs=[
            pl.BlockSpec((2, BR, HD), lambda i: (0, i, 0)),
            pl.BlockSpec((2, BR, HD), lambda i: (0, i, 0)),
            pl.BlockSpec((D, D), lambda i: (0, 0)),
            pl.BlockSpec((1, D), lambda i: (0, 0)),
            pl.BlockSpec((D, D), lambda i: (0, 0)),
            pl.BlockSpec((1, D), lambda i: (0, 0)),
        ],
        out_specs=[
            pl.BlockSpec((BR, D), lambda i: (i, 0)),
            pl.BlockSpec((1, D), lambda i: (0, 0)),
            pl.BlockSpec((1, D), lambda i: (0, 0)),
        ],
        out_shape=[
            jax.ShapeDtypeStruct((N, D), jnp.float32),
            jax.ShapeDtypeStruct((1, D), jnp.float32),
            jax.ShapeDtypeStruct((1, D), jnp.float32),
        ],
    )(x2, agg, w1, b1, w2, b2)


def _mlp1_body(x2_ref, a_ref, batch_ref, w1_ref, b1_ref, w2_ref, b2_ref,
               sum_ref, sq_ref, pooled_ref, cnt_ref):
    i = pl.program_id(0)
    h = (jnp.concatenate([x2_ref[0], x2_ref[1]], axis=-1)
         + jnp.concatenate([a_ref[0], a_ref[1]], axis=-1))
    z = jnp.dot(h, w1_ref[...], preferred_element_type=jnp.float32)
    z = jnp.maximum(z + b1_ref[...], 0.0)
    z = jnp.dot(z, w2_ref[...], preferred_element_type=jnp.float32)
    z = jnp.maximum(z + b2_ref[...], 0.0)

    @pl.when(i == 0)
    def _init():
        sum_ref[...] = jnp.zeros_like(sum_ref)
        sq_ref[...] = jnp.zeros_like(sq_ref)
        pooled_ref[...] = jnp.zeros_like(pooled_ref)
        cnt_ref[...] = jnp.zeros_like(cnt_ref)

    sum_ref[...] += jnp.sum(z, axis=0, keepdims=True)
    sq_ref[...] += jnp.sum(z * z, axis=0, keepdims=True)
    b = batch_ref[0]
    gids = lax.broadcasted_iota(jnp.int32, (G, BR), 0)
    oh = (gids == b).astype(jnp.float32)
    pooled_ref[...] += jnp.dot(oh, z, preferred_element_type=jnp.float32)
    cnt_ref[...] += jnp.sum(oh, axis=1, keepdims=True)


def _mlp1(x2, agg, batch3, w1, b1, w2, b2):
    con = pl.BlockSpec((1, D), lambda i: (0, 0))
    return pl.pallas_call(
        _mlp1_body,
        grid=(NB,),
        in_specs=[
            pl.BlockSpec((2, BR, HD), lambda i: (0, i, 0)),
            pl.BlockSpec((2, BR, HD), lambda i: (0, i, 0)),
            pl.BlockSpec((1, 1, BR), lambda i: (i, 0, 0)),
            pl.BlockSpec((D, D), lambda i: (0, 0)),
            con,
            pl.BlockSpec((D, D), lambda i: (0, 0)),
            con,
        ],
        out_specs=[
            con, con,
            pl.BlockSpec((G, D), lambda i: (0, 0)),
            pl.BlockSpec((G, D), lambda i: (0, 0)),
        ],
        out_shape=[
            jax.ShapeDtypeStruct((1, D), jnp.float32),
            jax.ShapeDtypeStruct((1, D), jnp.float32),
            jax.ShapeDtypeStruct((G, D), jnp.float32),
            jax.ShapeDtypeStruct((G, D), jnp.float32),
        ],
    )(x2, agg, batch3, w1, b1, w2, b2)


def _bn_body(act_ref, sum_ref, sq_ref, g_ref, be_ref, out_ref):
    mu = sum_ref[...] * (1.0 / N)
    var = sq_ref[...] * (1.0 / N) - mu * mu
    a = g_ref[...] * lax.rsqrt(var + 1e-5)
    z = act_ref[...] * a + (be_ref[...] - mu * a)
    out_ref[0] = z[:, :HD]
    out_ref[1] = z[:, HD:]


def _bn_apply(act, s, q, g, be):
    return pl.pallas_call(
        _bn_body,
        grid=(NB,),
        in_specs=[
            pl.BlockSpec((BR, D), lambda i: (i, 0)),
            pl.BlockSpec((1, D), lambda i: (0, 0)),
            pl.BlockSpec((1, D), lambda i: (0, 0)),
            pl.BlockSpec((1, D), lambda i: (0, 0)),
            pl.BlockSpec((1, D), lambda i: (0, 0)),
        ],
        out_specs=pl.BlockSpec((2, BR, HD), lambda i: (0, i, 0)),
        out_shape=jax.ShapeDtypeStruct((2, N, HD), jnp.float32),
    )(act, s, q, g, be)


def _head_body(pooled_ref, cnt_ref, sum_ref, sq_ref, g_ref, be_ref,
               w1_ref, b1_ref, mg_ref, mbe_ref, w2_ref, b2_ref,
               logp_ref, soft_ref, last_ref):
    mu = sum_ref[...] * (1.0 / N)
    var = sq_ref[...] * (1.0 / N) - mu * mu
    a = g_ref[...] * lax.rsqrt(var + 1e-5)
    c = be_ref[...] - mu * a
    cnt = cnt_ref[:, :1]
    pooled = (pooled_ref[...] * a + cnt * c) / jnp.maximum(cnt, 1.0)
    z = jnp.dot(pooled, w1_ref[...],
                preferred_element_type=jnp.float32) + b1_ref[...]
    zmu = jnp.mean(z, axis=0, keepdims=True)
    zc = z - zmu
    zvar = jnp.mean(zc * zc, axis=0, keepdims=True)
    z = mg_ref[...] * zc * lax.rsqrt(zvar + 1e-5) + mbe_ref[...]
    z = jnp.maximum(z, 0.0)
    last = jnp.dot(z, w2_ref[...],
                   preferred_element_type=jnp.float32) + b2_ref[...]
    m = jnp.max(last, axis=-1, keepdims=True)
    ex = jnp.exp(last - m)
    se = jnp.sum(ex, axis=-1, keepdims=True)
    logp = last - m - jnp.log(se)
    last_ref[...] = last
    logp_ref[...] = logp
    soft_ref[...] = ex / se


def _head(pooled, cnt, s, q, g, be, w1, b1, mg, mbe, w2, b2):
    return pl.pallas_call(
        _head_body,
        out_shape=[
            jax.ShapeDtypeStruct((G, OUT), jnp.float32),
            jax.ShapeDtypeStruct((G, OUT), jnp.float32),
            jax.ShapeDtypeStruct((G, OUT), jnp.float32),
        ],
    )(pooled, cnt, s, q, g, be, w1, b1, mg, mbe, w2, b2)


def kernel(x, edge_index, edge_weight, batch,
           l0_W1, l0_b1, l0_W2, l0_b2, l0_g, l0_be,
           l1_W1, l1_b1, l1_W2, l1_b2, l1_g, l1_be,
           m_W1, m_b1, m_g, m_be, m_W2, m_b2):
    del edge_weight
    pad = EP - E
    src = jnp.concatenate(
        [edge_index[0], jnp.zeros((pad,), jnp.int32)]).reshape(16, CPT * CHUNK)
    dst = jnp.concatenate(
        [edge_index[1], jnp.full((pad,), N, jnp.int32)]).reshape(16, CPT, CHUNK)
    zero = jnp.zeros((NPAD, HD), jnp.float32)
    x2 = jnp.stack([x[:, :HD], x[:, HD:]])

    r1 = lambda v: v.reshape(1, -1)
    agg0 = _sc_aggregate(x2, src, dst, zero)
    act0, s0, q0 = _mlp(x2, agg0, l0_W1, r1(l0_b1), l0_W2, r1(l0_b2))
    h2 = _bn_apply(act0, s0, q0, r1(l0_g), r1(l0_be))
    agg1 = _sc_aggregate(h2, src, dst, zero)
    batch3 = batch.reshape(NB, 1, BR)
    s1, q1, pooled, cnt = _mlp1(h2, agg1, batch3,
                                l1_W1, r1(l1_b1), l1_W2, r1(l1_b2))
    logp, soft, last = _head(pooled, cnt, s1, q1, r1(l1_g), r1(l1_be),
                             m_W1, r1(m_b1), r1(m_g), r1(m_be),
                             m_W2, r1(m_b2))
    return (logp, soft, last)

# --- scband reference (transcript-rebuilt; emitter-appended) ---
"""Pipeline reference for scband-gin-30580167148116 (READ-ONLY COPY).

The authoritative reference and input builder live on the scoring server;
editing this copy changes nothing except your own understanding.
"""

import jax, jax.numpy as jnp
import numpy as np

N = 10000
E = 320000
D = 128
H = 128
OUT = 64
G = 64

def _linear_init(key, fan_in, fan_out):
    k1, k2 = jax.random.split(key)
    s = 1.0 / np.sqrt(fan_in)
    W = jax.random.uniform(k1, (fan_in, fan_out), minval=-s, maxval=s, dtype=jnp.float32)
    b = jax.random.uniform(k2, (fan_out,), minval=-s, maxval=s, dtype=jnp.float32)
    return W, b

def setup_inputs(seed: int = 0):
    key = jax.random.key(seed)
    ks = jax.random.split(key, 12)
    inp = {}
    inp["x"] = jax.random.normal(ks[0], (N, D), dtype=jnp.float32)
    inp["edge_index"] = jax.random.randint(ks[1], (2, E), 0, N, dtype=jnp.int32)
    inp["edge_weight"] = jax.random.uniform(ks[2], (E,), dtype=jnp.float32)
    inp["batch"] = jnp.sort(jax.random.randint(ks[3], (N,), 0, G, dtype=jnp.int32))
    inp["l0_W1"], inp["l0_b1"] = _linear_init(ks[4], D, H)
    inp["l0_W2"], inp["l0_b2"] = _linear_init(ks[5], H, H)
    inp["l0_g"] = jnp.ones((H,), dtype=jnp.float32)
    inp["l0_be"] = jnp.zeros((H,), dtype=jnp.float32)
    inp["l1_W1"], inp["l1_b1"] = _linear_init(ks[6], H, H)
    inp["l1_W2"], inp["l1_b2"] = _linear_init(ks[7], H, H)
    inp["l1_g"] = jnp.ones((H,), dtype=jnp.float32)
    inp["l1_be"] = jnp.zeros((H,), dtype=jnp.float32)
    inp["m_W1"], inp["m_b1"] = _linear_init(ks[8], H, H)
    inp["m_g"] = jnp.ones((H,), dtype=jnp.float32)
    inp["m_be"] = jnp.zeros((H,), dtype=jnp.float32)
    inp["m_W2"], inp["m_b2"] = _linear_init(ks[9], H, OUT)
    return inp

def _bn(h, g, b):
    mu = jnp.mean(h, axis=0)
    var = jnp.var(h, axis=0)
    return g * (h - mu) / jnp.sqrt(var + 1e-5) + b

def _gin_layer(x, src, dst, W1, b1, W2, b2, g, be):
    agg = jnp.zeros_like(x).at[dst].add(x[src])
    h = x + agg
    h = jax.nn.relu(h @ W1 + b1)
    h = jax.nn.relu(h @ W2 + b2)
    return _bn(h, g, be)

def reference(x, edge_index, edge_weight, batch, l0_W1, l0_b1, l0_W2, l0_b2, l0_g, l0_be, l1_W1, l1_b1, l1_W2, l1_b2, l1_g, l1_be, m_W1, m_b1, m_g, m_be, m_W2, m_b2):
    src = edge_index[0]
    dst = edge_index[1]
    h = _gin_layer(x, src, dst, l0_W1, l0_b1, l0_W2, l0_b2, l0_g, l0_be)
    h = _gin_layer(h, src, dst, l1_W1, l1_b1, l1_W2, l1_b2, l1_g, l1_be)
    sums = jax.ops.segment_sum(h, batch, num_segments=G)
    cnt = jax.ops.segment_sum(jnp.ones((h.shape[0],), dtype=h.dtype), batch, num_segments=G)
    pooled = sums / jnp.clip(cnt, 1.0)[:, None]
    z = pooled @ m_W1 + m_b1
    z = _bn(z, m_g, m_be)
    z = jax.nn.relu(z)
    last = z @ m_W2 + m_b2
    logp = jax.nn.log_softmax(last, axis=-1)
    soft = jax.nn.softmax(logp, axis=-1)
    return (logp, soft, last)

if __name__ == "__main__":
    import jax
    _d = setup_inputs()
    print(jax.jit(kernel)(*tuple(_d.values())))

</pallas_src>

<mosaic_0001>
#map = affine_map<(d0, d1) -> (0, 0, 0)>
#map1 = affine_map<(d0, d1) -> (0, 0)>
module attributes {stable_mosaic.version = 14 : i64} {
  func.func @_sc_aggregate(%arg0: i32, %arg1: i32, %arg2: memref<2x10000x64xf32, #tpu.memory_space<hbm>>, %arg3: memref<16x20480xi32, #tpu.memory_space<hbm>>, %arg4: memref<16x160x128xi32, #tpu.memory_space<hbm>>, %arg5: memref<10112x64xf32, #tpu.memory_space<hbm>>, %arg6: memref<2x10112x64xf32, #tpu.memory_space<hbm>>, %arg7: memref<20480xi32, #tpu.memory_space<vmem>>, %arg8: memref<160x128xi32, #tpu.memory_space<vmem>>, %arg9: memref<128x64xf32, #tpu.memory_space<vmem>>, %arg10: memref<128x64xf32, #tpu.memory_space<vmem>>, %arg11: memref<128x64xf32, #tpu.memory_space<vmem>>, %arg12: memref<128x64xf32, #tpu.memory_space<vmem>>, %arg13: memref<128x64xf32, #tpu.memory_space<vmem>>, %arg14: memref<10112x64xf32, #tpu.memory_space<vmem_shared>>, %arg15: memref<!tpu.dma_semaphore, #tpu.memory_space<semaphore_mem>>, %arg16: memref<!tpu.dma_semaphore, #tpu.memory_space<semaphore_mem>>, %arg17: memref<!tpu.dma_semaphore, #tpu.memory_space<semaphore_mem>>, %arg18: memref<!tpu.dma_semaphore, #tpu.memory_space<semaphore_mem>>, %arg19: memref<!tpu.dma_semaphore, #tpu.memory_space<semaphore_mem>>) attributes {dimension_semantics = [#tpu.dimension_semantics<core_parallel>, #tpu.dimension_semantics<subcore_parallel>], iteration_bounds = array<i64: 2, 16>, scalar_prefetch = 0 : i64, scratch_operands = 13 : i64, tpu.core_type = #tpu.core_type<sc_vector_subcore>, window_params = [{transform_indices = #map}, {transform_indices = #map1}, {transform_indices = #map}, {transform_indices = #map1}, {transform_indices = #map}]} {
    %mul3A = arith.constant 632 : i32
    %mul3A_0 = arith.muli %arg1, %mul3A : i32
    %mul3A_1 = arith.constant 632 : i32
    %mul3A_2 = arith.muli %arg1, %mul3A_1 : i32
    "tpu.region"() ({
      %run_scoped3A = tpu.sem_alloc : memref<!tpu.dma_semaphore, #tpu.memory_space<semaphore_mem>>
      %dma_start3A_57 = arith.constant 0 : i32
      %dma_start3A_58 = tpu.memref_slice %arg14[%mul3A_2, %dma_start3A_57] : memref<10112x64xf32, #tpu.memory_space<vmem_shared>> -> memref<632x64xf32, #tpu.memory_space<vmem_shared>>
      %dma_start3A_59 = arith.constant 0 : i32
      %dma_start3A_60 = tpu.memref_slice %arg5[%mul3A_0, %dma_start3A_59] : memref<10112x64xf32, #tpu.memory_space<hbm>> -> memref<632x64xf32, #tpu.memory_space<hbm>>
      tpu.enqueue_dma source(%dma_start3A_60 : memref<632x64xf32, #tpu.memory_space<hbm>>) target(%dma_start3A_58 : memref<632x64xf32, #tpu.memory_space<vmem_shared>>) target_semaphore(%run_scoped3A : memref<!tpu.dma_semaphore, #tpu.memory_space<semaphore_mem>>)
      %dma_wait3A = arith.constant 0 : i32
      %dma_wait3A_61 = tpu.memref_slice %arg14[%mul3A_2, %dma_wait3A] : memref<10112x64xf32, #tpu.memory_space<vmem_shared>> -> memref<632x64xf32, #tpu.memory_space<vmem_shared>>
      %dma_wait3A_62 = arith.constant 0 : i32
      %dma_wait3A_63 = tpu.memref_slice %arg5[%mul3A_0, %dma_wait3A_62] : memref<10112x64xf32, #tpu.memory_space<hbm>> -> memref<632x64xf32, #tpu.memory_space<hbm>>
      tpu.wait_dma2 semaphore(%run_scoped3A : memref<!tpu.dma_semaphore, #tpu.memory_space<semaphore_mem>>) src(%dma_wait3A_63 : memref<632x64xf32, #tpu.memory_space<hbm>>) dst(%dma_wait3A_61 : memref<632x64xf32, #tpu.memory_space<vmem_shared>>)
      tpu.yield
    }) : () -> ()
    "tpu.region"() ({
      %run_scoped3A = tpu.sem_alloc : memref<!tpu.dma_semaphore, #tpu.memory_space<semaphore_mem>>
      %dma_start3A_57 = arith.constant 0 : i32
      %dma_start3A_58 = tpu.memref_slice %arg3[%arg1, %dma_start3A_57] : memref<16x20480xi32, #tpu.memory_space<hbm>> -> memref<1x20480xi32, #tpu.memory_space<hbm>>
      %dma_start3A_59 = tpu.memref_squeeze %dma_start3A_58 : memref<1x20480xi32, #tpu.memory_space<hbm>> -> memref<20480xi32, #tpu.memory_space<hbm>>
      %dma_start3A_60 = arith.constant 0 : i32
      %dma_start3A_61 = tpu.memref_slice %arg3[%arg1, %dma_start3A_60] : memref<16x20480xi32, #tpu.memory_space<hbm>> -> memref<1x20480xi32, #tpu.memory_space<hbm>>
      %dma_start3A_62 = tpu.memref_squeeze %dma_start3A_61 : memref<1x20480xi32, #tpu.memory_space<hbm>> -> memref<20480xi32, #tpu.memory_space<hbm>>
      tpu.enqueue_dma source(%dma_start3A_62 : memref<20480xi32, #tpu.memory_space<hbm>>) target(%arg7 : memref<20480xi32, #tpu.memory_space<vmem>>) target_semaphore(%run_scoped3A : memref<!tpu.dma_semaphore, #tpu.memory_space<semaphore_mem>>)
      %dma_wait3A = arith.constant 0 : i32
      %dma_wait3A_63 = tpu.memref_slice %arg3[%arg1, %dma_wait3A] : memref<16x20480xi32, #tpu.memory_space<hbm>> -> memref<1x20480xi32, #tpu.memory_space<hbm>>
      %dma_wait3A_64 = tpu.memref_squeeze %dma_wait3A_63 : memref<1x20480xi32, #tpu.memory_space<hbm>> -> memref<20480xi32, #tpu.memory_space<hbm>>
      %dma_wait3A_65 = arith.constant 0 : i32
      %dma_wait3A_66 = tpu.memref_slice %arg3[%arg1, %dma_wait3A_65] : memref<16x20480xi32, #tpu.memory_space<hbm>> -> memref<1x20480xi32, #tpu.memory_space<hbm>>
      %dma_wait3A_67 = tpu.memref_squeeze %dma_wait3A_66 : memref<1x20480xi32, #tpu.memory_space<hbm>> -> memref<20480xi32, #tpu.memory_space<hbm>>
      tpu.wait_dma2 semaphore(%run_scoped3A : memref<!tpu.dma_semaphore, #tpu.memory_space<semaphore_mem>>) src(%dma_wait3A_67 : memref<20480xi32, #tpu.memory_space<hbm>>) dst(%arg7 : memref<20480xi32, #tpu.memory_space<vmem>>)
      tpu.yield
    }) : () -> ()
    "tpu.region"() ({
      %run_scoped3A = tpu.sem_alloc : memref<!tpu.dma_semaphore, #tpu.memory_space<semaphore_mem>>
      %dma_start3A_57 = arith.constant 0 : i32
      %dma_start3A_58 = arith.constant 0 : i32
      %dma_start3A_59 = tpu.memref_slice %arg4[%arg1, %dma_start3A_57, %dma_start3A_58] : memref<16x160x128xi32, #tpu.memory_space<hbm>> -> memref<1x160x128xi32, #tpu.memory_space<hbm>>
      %dma_start3A_60 = tpu.memref_squeeze %dma_start3A_59 : memref<1x160x128xi32, #tpu.memory_space<hbm>> -> memref<160x128xi32, #tpu.memory_space<hbm>>
      %dma_start3A_61 = arith.constant 0 : i32
      %dma_start3A_62 = arith.constant 0 : i32
      %dma_start3A_63 = tpu.memref_slice %arg4[%arg1, %dma_start3A_61, %dma_start3A_62] : memref<16x160x128xi32, #tpu.memory_space<hbm>> -> memref<1x160x128xi32, #tpu.memory_space<hbm>>
      %dma_start3A_64 = tpu.memref_squeeze %dma_start3A_63 : memref<1x160x128xi32, #tpu.memory_space<hbm>> -> memref<160x128xi32, #tpu.memory_space<hbm>>
      tpu.enqueue_dma source(%dma_start3A_64 : memref<160x128xi32, #tpu.memory_space<hbm>>) target(%arg8 : memref<160x128xi32, #tpu.memory_space<vmem>>) target_semaphore(%run_scoped3A : memref<!tpu.dma_semaphore, #tpu.memory_space<semaphore_mem>>)
      %dma_wait3A = arith.constant 0 : i32
      %dma_wait3A_65 = arith.constant 0 : i32
      %dma_wait3A_66 = tpu.memref_slice %arg4[%arg1, %dma_wait3A, %dma_wait3A_65] : memref<16x160x128xi32, #tpu.memory_space<hbm>> -> memref<1x160x128xi32, #tpu.memory_space<hbm>>
      %dma_wait3A_67 = tpu.memref_squeeze %dma_wait3A_66 : memref<1x160x128xi32, #tpu.memory_space<hbm>> -> memref<160x128xi32, #tpu.memory_space<hbm>>
      %dma_wait3A_68 = arith.constant 0 : i32
      %dma_wait3A_69 = arith.constant 0 : i32
      %dma_wait3A_70 = tpu.memref_slice %arg4[%arg1, %dma_wait3A_68, %dma_wait3A_69] : memref<16x160x128xi32, #tpu.memory_space<hbm>> -> memref<1x160x128xi32, #tpu.memory_space<hbm>>
      %dma_wait3A_71 = tpu.memref_squeeze %dma_wait3A_70 : memref<1x160x128xi32, #tpu.memory_space<hbm>> -> memref<160x128xi32, #tpu.memory_space<hbm>>
      tpu.wait_dma2 semaphore(%run_scoped3A : memref<!tpu.dma_semaphore, #tpu.memory_space<semaphore_mem>>) src(%dma_wait3A_71 : memref<160x128xi32, #tpu.memory_space<hbm>>) dst(%arg8 : memref<160x128xi32, #tpu.memory_space<vmem>>)
      tpu.yield
    }) : () -> ()
    %barrier3A = arith.constant 0 : index
    tpu.barrier barrier_id(%barrier3A)
    %dma_start3A = arith.constant 0 : i32
    %dma_start3A_3 = tpu.memref_slice %arg7[%dma_start3A] : memref<20480xi32, #tpu.memory_space<vmem>> -> memref<128xi32, #tpu.memory_space<vmem>>
    %dma_start3A_4 = arith.constant 0 : i32
    %dma_start3A_5 = arith.constant 0 : i32
    %dma_start3A_6 = tpu.memref_slice %arg2[%arg0, %dma_start3A_4, %dma_start3A_5] : memref<2x10000x64xf32, #tpu.memory_space<hbm>> -> memref<1x10000x64xf32, #tpu.memory_space<hbm>>
    %dma_start3A_7 = tpu.memref_squeeze %dma_start3A_6 : memref<1x10000x64xf32, #tpu.memory_space<hbm>> -> memref<10000x64xf32, #tpu.memory_space<hbm>>
    %dma_start3A_8 = arith.constant 0 : i32
    %dma_start3A_9 = arith.constant 0 : i32
    %dma_start3A_10 = tpu.memref_slice %dma_start3A_7[%dma_start3A_8, %dma_start3A_9] : memref<10000x64xf32, #tpu.memory_space<hbm>> -> memref<10000x64xf32, #tpu.memory_space<hbm>>
    tpu.enqueue_indirect_dma source(%dma_start3A_10 : memref<10000x64xf32, #tpu.memory_space<hbm>>) target(%arg9 : memref<128x64xf32, #tpu.memory_space<vmem>>) offsets(%dma_start3A_3 : memref<128xi32, #tpu.memory_space<vmem>>) semaphore(%arg15 : memref<!tpu.dma_semaphore, #tpu.memory_space<semaphore_mem>>)
    %dma_start3A_11 = arith.constant 128 : i32
    %dma_start3A_12 = tpu.memref_slice %arg7[%dma_start3A_11] : memref<20480xi32, #tpu.memory_space<vmem>> -> memref<128xi32, #tpu.memory_space<vmem>>
    %dma_start3A_13 = arith.constant 0 : i32
    %dma_start3A_14 = arith.constant 0 : i32
    %dma_start3A_15 = tpu.memref_slice %arg2[%arg0, %dma_start3A_13, %dma_start3A_14] : memref<2x10000x64xf32, #tpu.memory_space<hbm>> -> memref<1x10000x64xf32, #tpu.memory_space<hbm>>
    %dma_start3A_16 = tpu.memref_squeeze %dma_start3A_15 : memref<1x10000x64xf32, #tpu.memory_space<hbm>> -> memref<10000x64xf32, #tpu.memory_space<hbm>>
    %dma_start3A_17 = arith.constant 0 : i32
    %dma_start3A_18 = arith.constant 0 : i32
    %dma_start3A_19 = tpu.memref_slice %dma_start3A_16[%dma_start3A_17, %dma_start3A_18] : memref<10000x64xf32, #tpu.memory_space<hbm>> -> memref<10000x64xf32, #tpu.memory_space<hbm>>
    tpu.enqueue_indirect_dma source(%dma_start3A_19 : memref<10000x64xf32, #tpu.memory_space<hbm>>) target(%arg10 : memref<128x64xf32, #tpu.memory_space<vmem>>) offsets(%dma_start3A_12 : memref<128xi32, #tpu.memory_space<vmem>>) semaphore(%arg16 : memref<!tpu.dma_semaphore, #tpu.memory_space<semaphore_mem>>)
    %dma_start3A_20 = arith.constant 256 : i32
    %dma_start3A_21 = tpu.memref_slice %arg7[%dma_start3A_20] : memref<20480xi32, #tpu.memory_space<vmem>> -> memref<128xi32, #tpu.memory_space<vmem>>
    %dma_start3A_22 = arith.constant 0 : i32
    %dma_start3A_23 = arith.constant 0 : i32
    %dma_start3A_24 = tpu.memref_slice %arg2[%arg0, %dma_start3A_22, %dma_start3A_23] : memref<2x10000x64xf32, #tpu.memory_space<hbm>> -> memref<1x10000x64xf32, #tpu.memory_space<hbm>>
    %dma_start3A_25 = tpu.memref_squeeze %dma_start3A_24 : memref<1x10000x64xf32, #tpu.memory_space<hbm>> -> memref<10000x64xf32, #tpu.memory_space<hbm>>
    %dma_start3A_26 = arith.constant 0 : i32
    %dma_start3A_27 = arith.constant 0 : i32
    %dma_start3A_28 = tpu.memref_slice %dma_start3A_25[%dma_start3A_26, %dma_start3A_27] : memref<10000x64xf32, #tpu.memory_space<hbm>> -> memref<10000x64xf32, #tpu.memory_space<hbm>>
    tpu.enqueue_indirect_dma source(%dma_start3A_28 : memref<10000x64xf32, #tpu.memory_space<hbm>>) target(%arg11 : memref<128x64xf32, #tpu.memory_space<vmem>>) offsets(%dma_start3A_21 : memref<128xi32, #tpu.memory_space<vmem>>) semaphore(%arg17 : memref<!tpu.dma_semaphore, #tpu.memory_space<semaphore_mem>>)
    %dma_start3A_29 = arith.constant 384 : i32
    %dma_start3A_30 = tpu.memref_slice %arg7[%dma_start3A_29] : memref<20480xi32, #tpu.memory_space<vmem>> -> memref<128xi32, #tpu.memory_space<vmem>>
    %dma_start3A_31 = arith.constant 0 : i32
    %dma_start3A_32 = arith.constant 0 : i32
    %dma_start3A_33 = tpu.memref_slice %arg2[%arg0, %dma_start3A_31, %dma_start3A_32] : memref<2x10000x64xf32, #tpu.memory_space<hbm>> -> memref<1x10000x64xf32, #tpu.memory_space<hbm>>
    %dma_start3A_34 = tpu.memref_squeeze %dma_start3A_33 : memref<1x10000x64xf32, #tpu.memory_space<hbm>> -> memref<10000x64xf32, #tpu.memory_space<hbm>>
    %dma_start3A_35 = arith.constant 0 : i32
    %dma_start3A_36 = arith.constant 0 : i32
    %dma_start3A_37 = tpu.memref_slice %dma_start3A_34[%dma_start3A_35, %dma_start3A_36] : memref<10000x64xf32, #tpu.memory_space<hbm>> -> memref<10000x64xf32, #tpu.memory_space<hbm>>
    tpu.enqueue_indirect_dma source(%dma_start3A_37 : memref<10000x64xf32, #tpu.memory_space<hbm>>) target(%arg12 : memref<128x64xf32, #tpu.memory_space<vmem>>) offsets(%dma_start3A_30 : memref<128xi32, #tpu.memory_space<vmem>>) semaphore(%arg18 : memref<!tpu.dma_semaphore, #tpu.memory_space<semaphore_mem>>)
    %dma_start3A_38 = arith.constant 512 : i32
    %dma_start3A_39 = tpu.memref_slice %arg7[%dma_start3A_38] : memref<20480xi32, #tpu.memory_space<vmem>> -> memref<128xi32, #tpu.memory_space<vmem>>
    %dma_start3A_40 = arith.constant 0 : i32
    %dma_start3A_41 = arith.constant 0 : i32
    %dma_start3A_42 = tpu.memref_slice %arg2[%arg0, %dma_start3A_40, %dma_start3A_41] : memref<2x10000x64xf32, #tpu.memory_space<hbm>> -> memref<1x10000x64xf32, #tpu.memory_space<hbm>>
    %dma_start3A_43 = tpu.memref_squeeze %dma_start3A_42 : memref<1x10000x64xf32, #tpu.memory_space<hbm>> -> memref<10000x64xf32, #tpu.memory_space<hbm>>
    %dma_start3A_44 = arith.constant 0 : i32
    %dma_start3A_45 = arith.constant 0 : i32
    %dma_start3A_46 = tpu.memref_slice %dma_start3A_43[%dma_start3A_44, %dma_start3A_45] : memref<10000x64xf32, #tpu.memory_space<hbm>> -> memref<10000x64xf32, #tpu.memory_space<hbm>>
    tpu.enqueue_indirect_dma source(%dma_start3A_46 : memref<10000x64xf32, #tpu.memory_space<hbm>>) target(%arg13 : memref<128x64xf32, #tpu.memory_space<vmem>>) offsets(%dma_start3A_39 : memref<128xi32, #tpu.memory_space<vmem>>) semaphore(%arg19 : memref<!tpu.dma_semaphore, #tpu.memory_space<semaphore_mem>>)
    %scan3A = arith.constant 0 : i32
    %scan3A_47 = arith.constant 0 : i32
    %scan3A_48 = arith.constant 32 : i32
    %scan3A_49 = arith.addi %scan3A_47, %scan3A_48 : i32
    %scan3A_50 = arith.constant 1 : i32
    scf.for %scan3A_57 = %scan3A_47 to %scan3A_49 step %scan3A_50  : i32 {
      %mul3A_58 = arith.constant 5 : i32
      %mul3A_59 = arith.muli %mul3A_58, %scan3A_57 : i32
      %add3A = arith.constant 0 : i32
      %add3A_60 = arith.addi %mul3A_59, %add3A : i32
      %mul3A_61 = arith.constant 128 : i32
      %mul3A_62 = arith.muli %add3A_60, %mul3A_61 : i32
      %dma_wait3A = tpu.memref_slice %arg7[%mul3A_62] : memref<20480xi32, #tpu.memory_space<vmem>> -> memref<128xi32, #tpu.memory_space<vmem>>
      %dma_wait3A_63 = arith.constant 0 : i32
      %dma_wait3A_64 = arith.constant 0 : i32
      %dma_wait3A_65 = tpu.memref_slice %arg2[%arg0, %dma_wait3A_63, %dma_wait3A_64] : memref<2x10000x64xf32, #tpu.memory_space<hbm>> -> memref<1x10000x64xf32, #tpu.memory_space<hbm>>
      %dma_wait3A_66 = tpu.memref_squeeze %dma_wait3A_65 : memref<1x10000x64xf32, #tpu.memory_space<hbm>> -> memref<10000x64xf32, #tpu.memory_space<hbm>>
      %dma_wait3A_67 = arith.constant 0 : i32
      %dma_wait3A_68 = arith.constant 0 : i32
      %dma_wait3A_69 = tpu.memref_slice %dma_wait3A_66[%dma_wait3A_67, %dma_wait3A_68] : memref<10000x64xf32, #tpu.memory_space<hbm>> -> memref<10000x64xf32, #tpu.memory_space<hbm>>
      tpu.wait_indirect_dma semaphore(%arg15 : memref<!tpu.dma_semaphore, #tpu.memory_space<semaphore_mem>>) src(%dma_wait3A_69 : memref<10000x64xf32, #tpu.memory_space<hbm>>) dst(%arg9 : memref<128x64xf32, #tpu.memory_space<vmem>>)
      "tpu.region"() ({
        %run_scoped3A = tpu.sem_alloc : memref<!tpu.dma_semaphore, #tpu.memory_space<semaphore_mem>>
        %dma_start3A_150 = arith.constant 0 : i32
        %dma_start3A_151 = tpu.memref_slice %arg8[%add3A_60, %dma_start3A_150] : memref<160x128xi32, #tpu.memory_space<vmem>> -> memref<1x128xi32, #tpu.memory_space<vmem>>
        %dma_start3A_152 = tpu.memref_squeeze %dma_start3A_151 : memref<1x128xi32, #tpu.memory_space<vmem>> -> memref<128xi32, #tpu.memory_space<vmem>>
        %dma_start3A_153 = arith.constant 0 : i32
        %dma_start3A_154 = arith.constant 0 : i32
        %dma_start3A_155 = tpu.memref_slice %arg14[%dma_start3A_153, %dma_start3A_154] : memref<10112x64xf32, #tpu.memory_space<vmem_shared>> -> memref<10112x64xf32, #tpu.memory_space<vmem_shared>>
        tpu.enqueue_indirect_dma source(%arg9 : memref<128x64xf32, #tpu.memory_space<vmem>>) target(%dma_start3A_155 : memref<10112x64xf32, #tpu.memory_space<vmem_shared>>) offsets(%dma_start3A_152 : memref<128xi32, #tpu.memory_space<vmem>>) semaphore(%run_scoped3A : memref<!tpu.dma_semaphore, #tpu.memory_space<semaphore_mem>>) {add = true}
        %dma_wait3A_156 = arith.constant 0 : i32
        %dma_wait3A_157 = tpu.memref_slice %arg8[%add3A_60, %dma_wait3A_156] : memref<160x128xi32, #tpu.memory_space<vmem>> -> memref<1x128xi32, #tpu.memory_space<vmem>>
        %dma_wait3A_158 = tpu.memref_squeeze %dma_wait3A_157 : memref<1x128xi32, #tpu.memory_space<vmem>> -> memref<128xi32, #tpu.memory_space<vmem>>
        %dma_wait3A_159 = arith.constant 0 : i32
        %dma_wait3A_160 = arith.constant 0 : i32
        %dma_wait3A_161 = tpu.memref_slice %arg14[%dma_wait3A_159, %dma_wait3A_160] : memref<10112x64xf32, #tpu.memory_space<vmem_shared>> -> memref<10112x64xf32, #tpu.memory_space<vmem_shared>>
        tpu.wait_indirect_dma semaphore(%run_scoped3A : memref<!tpu.dma_semaphore, #tpu.memory_space<semaphore_mem>>) src(%arg9 : memref<128x64xf32, #tpu.memory_space<vmem>>) dst(%dma_wait3A_161 : memref<10112x64xf32, #tpu.memory_space<vmem_shared>>)
        tpu.yield
      }) : () -> ()
      %add3A_70 = arith.constant 5 : i32
      %add3A_71 = arith.addi %add3A_60, %add3A_70 : i32
      %lt3A = arith.constant 160 : i32
      %lt3A_72 = arith.cmpi slt, %add3A_71, %lt3A : i32
      %convert_element_type3A = arith.extui %lt3A_72 : i1 to i32
      %cond3A = arith.constant 0 : i32
      %cond3A_73 = arith.cmpi ne, %convert_element_type3A, %cond3A : i32
      scf.if %cond3A_73 {
        %add3A_150 = arith.constant 5 : i32
        %add3A_151 = arith.addi %add3A_60, %add3A_150 : i32
        %mul3A_152 = arith.constant 128 : i32
        %mul3A_153 = arith.muli %add3A_151, %mul3A_152 : i32
        %dma_start3A_154 = tpu.memref_slice %arg7[%mul3A_153] : memref<20480xi32, #tpu.memory_space<vmem>> -> memref<128xi32, #tpu.memory_space<vmem>>
        %dma_start3A_155 = arith.constant 0 : i32
        %dma_start3A_156 = arith.constant 0 : i32
        %dma_start3A_157 = tpu.memref_slice %arg2[%arg0, %dma_start3A_155, %dma_start3A_156] : memref<2x10000x64xf32, #tpu.memory_space<hbm>> -> memref<1x10000x64xf32, #tpu.memory_space<hbm>>
        %dma_start3A_158 = tpu.memref_squeeze %dma_start3A_157 : memref<1x10000x64xf32, #tpu.memory_space<hbm>> -> memref<10000x64xf32, #tpu.memory_space<hbm>>
        %dma_start3A_159 = arith.constant 0 : i32
        %dma_start3A_160 = arith.constant 0 : i32
        %dma_start3A_161 = tpu.memref_slice %dma_start3A_158[%dma_start3A_159, %dma_start3A_160] : memref<10000x64xf32, #tpu.memory_space<hbm>> -> memref<10000x64xf32, #tpu.memory_space<hbm>>
        tpu.enqueue_indirect_dma source(%dma_start3A_161 : memref<10000x64xf32, #tpu.memory_space<hbm>>) target(%arg9 : memref<128x64xf32, #tpu.memory_space<vmem>>) offsets(%dma_start3A_154 : memref<128xi32, #tpu.memory_space<vmem>>) semaphore(%arg15 : memref<!tpu.dma_semaphore, #tpu.memory_space<semaphore_mem>>)
      } else {
      }
      %add3A_74 = arith.constant 1 : i32
      %add3A_75 = arith.addi %mul3A_59, %add3A_74 : i32
      %mul3A_76 = arith.constant 128 : i32
      %mul3A_77 = arith.muli %add3A_75, %mul3A_76 : i32
      %dma_wait3A_78 = tpu.memref_slice %arg7[%mul3A_77] : memref<20480xi32, #tpu.memory_space<vmem>> -> memref<128xi32, #tpu.memory_space<vmem>>
      %dma_wait3A_79 = arith.constant 0 : i32
      %dma_wait3A_80 = arith.constant 0 : i32
      %dma_wait3A_81 = tpu.memref_slice %arg2[%arg0, %dma_wait3A_79, %dma_wait3A_80] : memref<2x10000x64xf32, #tpu.memory_space<hbm>> -> memref<1x10000x64xf32, #tpu.memory_space<hbm>>
      %dma_wait3A_82 = tpu.memref_squeeze %dma_wait3A_81 : memref<1x10000x64xf32, #tpu.memory_space<hbm>> -> memref<10000x64xf32, #tpu.memory_space<hbm>>
      %dma_wait3A_83 = arith.constant 0 : i32
      %dma_wait3A_84 = arith.constant 0 : i32
      %dma_wait3A_85 = tpu.memref_slice %dma_wait3A_82[%dma_wait3A_83, %dma_wait3A_84] : memref<10000x64xf32, #tpu.memory_space<hbm>> -> memref<10000x64xf32, #tpu.memory_space<hbm>>
      tpu.wait_indirect_dma semaphore(%arg16 : memref<!tpu.dma_semaphore, #tpu.memory_space<semaphore_mem>>) src(%dma_wait3A_85 : memref<10000x64xf32, #tpu.memory_space<hbm>>) dst(%arg10 : memref<128x64xf32, #tpu.memory_space<vmem>>)
      "tpu.region"() ({
        %run_scoped3A = tpu.sem_alloc : memref<!tpu.dma_semaphore, #tpu.memory_space<semaphore_mem>>
        %dma_start3A_150 = arith.constant 0 : i32
        %dma_start3A_151 = tpu.memref_slice %arg8[%add3A_75, %dma_start3A_150] : memref<160x128xi32, #tpu.memory_space<vmem>> -> memref<1x128xi32, #tpu.memory_space<vmem>>
        %dma_start3A_152 = tpu.memref_squeeze %dma_start3A_151 : memref<1x128xi32, #tpu.memory_space<vmem>> -> memref<128xi32, #tpu.memory_space<vmem>>
        %dma_start3A_153 = arith.constant 0 : i32
        %dma_start3A_154 = arith.constant 0 : i32
        %dma_start3A_155 = tpu.memref_slice %arg14[%dma_start3A_153, %dma_start3A_154] : memref<10112x64xf32, #tpu.memory_space<vmem_shared>> -> memref<10112x64xf32, #tpu.memory_space<vmem_shared>>
        tpu.enqueue_indirect_dma source(%arg10 : memref<128x64xf32, #tpu.memory_space<vmem>>) target(%dma_start3A_155 : memref<10112x64xf32, #tpu.memory_space<vmem_shared>>) offsets(%dma_start3A_152 : memref<128xi32, #tpu.memory_space<vmem>>) semaphore(%run_scoped3A : memref<!tpu.dma_semaphore, #tpu.memory_space<semaphore_mem>>) {add = true}
        %dma_wait3A_156 = arith.constant 0 : i32
        %dma_wait3A_157 = tpu.memref_slice %arg8[%add3A_75, %dma_wait3A_156] : memref<160x128xi32, #tpu.memory_space<vmem>> -> memref<1x128xi32, #tpu.memory_space<vmem>>
        %dma_wait3A_158 = tpu.memref_squeeze %dma_wait3A_157 : memref<1x128xi32, #tpu.memory_space<vmem>> -> memref<128xi32, #tpu.memory_space<vmem>>
        %dma_wait3A_159 = arith.constant 0 : i32
        %dma_wait3A_160 = arith.constant 0 : i32
        %dma_wait3A_161 = tpu.memref_slice %arg14[%dma_wait3A_159, %dma_wait3A_160] : memref<10112x64xf32, #tpu.memory_space<vmem_shared>> -> memref<10112x64xf32, #tpu.memory_space<vmem_shared>>
        tpu.wait_indirect_dma semaphore(%run_scoped3A : memref<!tpu.dma_semaphore, #tpu.memory_space<semaphore_mem>>) src(%arg10 : memref<128x64xf32, #tpu.memory_space<vmem>>) dst(%dma_wait3A_161 : memref<10112x64xf32, #tpu.memory_space<vmem_shared>>)
        tpu.yield
      }) : () -> ()
      %add3A_86 = arith.constant 5 : i32
      %add3A_87 = arith.addi %add3A_75, %add3A_86 : i32
      %lt3A_88 = arith.constant 160 : i32
      %lt3A_89 = arith.cmpi slt, %add3A_87, %lt3A_88 : i32
      %convert_element_type3A_90 = arith.extui %lt3A_89 : i1 to i32
      %cond3A_91 = arith.constant 0 : i32
      %cond3A_92 = arith.cmpi ne, %convert_element_type3A_90, %cond3A_91 : i32
      scf.if %cond3A_92 {
        %add3A_150 = arith.constant 5 : i32
        %add3A_151 = arith.addi %add3A_75, %add3A_150 : i32
        %mul3A_152 = arith.constant 128 : i32
        %mul3A_153 = arith.muli %add3A_151, %mul3A_152 : i32
        %dma_start3A_154 = tpu.memref_slice %arg7[%mul3A_153] : memref<20480xi32, #tpu.memory_space<vmem>> -> memref<128xi32, #tpu.memory_space<vmem>>
        %dma_start3A_155 = arith.constant 0 : i32
        %dma_start3A_156 = arith.constant 0 : i32
        %dma_start3A_157 = tpu.memref_slice %arg2[%arg0, %dma_start3A_155, %dma_start3A_156] : memref<2x10000x64xf32, #tpu.memory_space<hbm>> -> memref<1x10000x64xf32, #tpu.memory_space<hbm>>
        %dma_start3A_158 = tpu.memref_squeeze %dma_start3A_157 : memref<1x10000x64xf32, #tpu.memory_space<hbm>> -> memref<10000x64xf32, #tpu.memory_space<hbm>>
        %dma_start3A_159 = arith.constant 0 : i32
        %dma_start3A_160 = arith.constant 0 : i32
        %dma_start3A_161 = tpu.memref_slice %dma_start3A_158[%dma_start3A_159, %dma_start3A_160] : memref<10000x64xf32, #tpu.memory_space<hbm>> -> memref<10000x64xf32, #tpu.memory_space<hbm>>
        tpu.enqueue_indirect_dma source(%dma_start3A_161 : memref<10000x64xf32, #tpu.memory_space<hbm>>) target(%arg10 : memref<128x64xf32, #tpu.memory_space<vmem>>) offsets(%dma_start3A_154 : memref<128xi32, #tpu.memory_space<vmem>>) semaphore(%arg16 : memref<!tpu.dma_semaphore, #tpu.memory_space<semaphore_mem>>)
      } else {
      }
      %add3A_93 = arith.constant 2 : i32
      %add3A_94 = arith.addi %mul3A_59, %add3A_93 : i32
      %mul3A_95 = arith.constant 128 : i32
      %mul3A_96 = arith.muli %add3A_94, %mul3A_95 : i32
      %dma_wait3A_97 = tpu.memref_slice %arg7[%mul3A_96] : memref<20480xi32, #tpu.memory_space<vmem>> -> memref<128xi32, #tpu.memory_space<vmem>>
      %dma_wait3A_98 = arith.constant 0 : i32
      %dma_wait3A_99 = arith.constant 0 : i32
      %dma_wait3A_100 = tpu.memref_slice %arg2[%arg0, %dma_wait3A_98, %dma_wait3A_99] : memref<2x10000x64xf32, #tpu.memory_space<hbm>> -> memref<1x10000x64xf32, #tpu.memory_space<hbm>>
      %dma_wait3A_101 = tpu.memref_squeeze %dma_wait3A_100 : memref<1x10000x64xf32, #tpu.memory_space<hbm>> -> memref<10000x64xf32, #tpu.memory_space<hbm>>
      %dma_wait3A_102 = arith.constant 0 : i32
      %dma_wait3A_103 = arith.constant 0 : i32
      %dma_wait3A_104 = tpu.memref_slice %dma_wait3A_101[%dma_wait3A_102, %dma_wait3A_103] : memref<10000x64xf32, #tpu.memory_space<hbm>> -> memref<10000x64xf32, #tpu.memory_space<hbm>>
      tpu.wait_indirect_dma semaphore(%arg17 : memref<!tpu.dma_semaphore, #tpu.memory_space<semaphore_mem>>) src(%dma_wait3A_104 : memref<10000x64xf32, #tpu.memory_space<hbm>>) dst(%arg11 : memref<128x64xf32, #tpu.memory_space<vmem>>)
      "tpu.region"() ({
        %run_scoped3A = tpu.sem_alloc : memref<!tpu.dma_semaphore, #tpu.memory_space<semaphore_mem>>
        %dma_start3A_150 = arith.constant 0 : i32
        %dma_start3A_151 = tpu.memref_slice %arg8[%add3A_94, %dma_start3A_150] : memref<160x128xi32, #tpu.memory_space<vmem>> -> memref<1x128xi32, #tpu.memory_space<vmem>>
        %dma_start3A_152 = tpu.memref_squeeze %dma_start3A_151 : memref<1x128xi32, #tpu.memory_space<vmem>> -> memref<128xi32, #tpu.memory_space<vmem>>
        %dma_start3A_153 = arith.constant 0 : i32
        %dma_start3A_154 = arith.constant 0 : i32
        %dma_start3A_155 = tpu.memref_slice %arg14[%dma_start3A_153, %dma_start3A_154] : memref<10112x64xf32, #tpu.memory_space<vmem_shared>> -> memref<10112x64xf32, #tpu.memory_space<vmem_shared>>
        tpu.enqueue_indirect_dma source(%arg11 : memref<128x64xf32, #tpu.memory_space<vmem>>) target(%dma_start3A_155 : memref<10112x64xf32, #tpu.memory_space<vmem_shared>>) offsets(%dma_start3A_152 : memref<128xi32, #tpu.memory_space<vmem>>) semaphore(%run_scoped3A : memref<!tpu.dma_semaphore, #tpu.memory_space<semaphore_mem>>) {add = true}
        %dma_wait3A_156 = arith.constant 0 : i32
        %dma_wait3A_157 = tpu.memref_slice %arg8[%add3A_94, %dma_wait3A_156] : memref<160x128xi32, #tpu.memory_space<vmem>> -> memref<1x128xi32, #tpu.memory_space<vmem>>
        %dma_wait3A_158 = tpu.memref_squeeze %dma_wait3A_157 : memref<1x128xi32, #tpu.memory_space<vmem>> -> memref<128xi32, #tpu.memory_space<vmem>>
        %dma_wait3A_159 = arith.constant 0 : i32
        %dma_wait3A_160 = arith.constant 0 : i32
        %dma_wait3A_161 = tpu.memref_slice %arg14[%dma_wait3A_159, %dma_wait3A_160] : memref<10112x64xf32, #tpu.memory_space<vmem_shared>> -> memref<10112x64xf32, #tpu.memory_space<vmem_shared>>
        tpu.wait_indirect_dma semaphore(%run_scoped3A : memref<!tpu.dma_semaphore, #tpu.memory_space<semaphore_mem>>) src(%arg11 : memref<128x64xf32, #tpu.memory_space<vmem>>) dst(%dma_wait3A_161 : memref<10112x64xf32, #tpu.memory_space<vmem_shared>>)
        tpu.yield
      }) : () -> ()
      %add3A_105 = arith.constant 5 : i32
      %add3A_106 = arith.addi %add3A_94, %add3A_105 : i32
      %lt3A_107 = arith.constant 160 : i32
      %lt3A_108 = arith.cmpi slt, %add3A_106, %lt3A_107 : i32
      %convert_element_type3A_109 = arith.extui %lt3A_108 : i1 to i32
      %cond3A_110 = arith.constant 0 : i32
      %cond3A_111 = arith.cmpi ne, %convert_element_type3A_109, %cond3A_110 : i32
      scf.if %cond3A_111 {
        %add3A_150 = arith.constant 5 : i32
        %add3A_151 = arith.addi %add3A_94, %add3A_150 : i32
        %mul3A_152 = arith.constant 128 : i32
        %mul3A_153 = arith.muli %add3A_151, %mul3A_152 : i32
        %dma_start3A_154 = tpu.memref_slice %arg7[%mul3A_153] : memref<20480xi32, #tpu.memory_space<vmem>> -> memref<128xi32, #tpu.memory_space<vmem>>
        %dma_start3A_155 = arith.constant 0 : i32
        %dma_start3A_156 = arith.constant 0 : i32
        %dma_start3A_157 = tpu.memref_slice %arg2[%arg0, %dma_start3A_155, %dma_start3A_156] : memref<2x10000x64xf32, #tpu.memory_space<hbm>> -> memref<1x10000x64xf32, #tpu.memory_space<hbm>>
        %dma_start3A_158 = tpu.memref_squeeze %dma_start3A_157 : memref<1x10000x64xf32, #tpu.memory_space<hbm>> -> memref<10000x64xf32, #tpu.memory_space<hbm>>
        %dma_start3A_159 = arith.constant 0 : i32
        %dma_start3A_160 = arith.constant 0 : i32
        %dma_start3A_161 = tpu.memref_slice %dma_start3A_158[%dma_start3A_159, %dma_start3A_160] : memref<10000x64xf32, #tpu.memory_space<hbm>> -> memref<10000x64xf32, #tpu.memory_space<hbm>>
        tpu.enqueue_indirect_dma source(%dma_start3A_161 : memref<10000x64xf32, #tpu.memory_space<hbm>>) target(%arg11 : memref<128x64xf32, #tpu.memory_space<vmem>>) offsets(%dma_start3A_154 : memref<128xi32, #tpu.memory_space<vmem>>) semaphore(%arg17 : memref<!tpu.dma_semaphore, #tpu.memory_space<semaphore_mem>>)
      } else {
      }
      %add3A_112 = arith.constant 3 : i32
      %add3A_113 = arith.addi %mul3A_59, %add3A_112 : i32
      %mul3A_114 = arith.constant 128 : i32
      %mul3A_115 = arith.muli %add3A_113, %mul3A_114 : i32
      %dma_wait3A_116 = tpu.memref_slice %arg7[%mul3A_115] : memref<20480xi32, #tpu.memory_space<vmem>> -> memref<128xi32, #tpu.memory_space<vmem>>
      %dma_wait3A_117 = arith.constant 0 : i32
      %dma_wait3A_118 = arith.constant 0 : i32
      %dma_wait3A_119 = tpu.memref_slice %arg2[%arg0, %dma_wait3A_117, %dma_wait3A_118] : memref<2x10000x64xf32, #tpu.memory_space<hbm>> -> memref<1x10000x64xf32, #tpu.memory_space<hbm>>
      %dma_wait3A_120 = tpu.memref_squeeze %dma_wait3A_119 : memref<1x10000x64xf32, #tpu.memory_space<hbm>> -> memref<10000x64xf32, #tpu.memory_space<hbm>>
      %dma_wait3A_121 = arith.constant 0 : i32
      %dma_wait3A_122 = arith.constant 0 : i32
      %dma_wait3A_123 = tpu.memref_slice %dma_wait3A_120[%dma_wait3A_121, %dma_wait3A_122] : memref<10000x64xf32, #tpu.memory_space<hbm>> -> memref<10000x64xf32, #tpu.memory_space<hbm>>
      tpu.wait_indirect_dma semaphore(%arg18 : memref<!tpu.dma_semaphore, #tpu.memory_space<semaphore_mem>>) src(%dma_wait3A_123 : memref<10000x64xf32, #tpu.memory_space<hbm>>) dst(%arg12 : memref<128x64xf32, #tpu.memory_space<vmem>>)
      "tpu.region"() ({
        %run_scoped3A = tpu.sem_alloc : memref<!tpu.dma_semaphore, #tpu.memory_space<semaphore_mem>>
        %dma_start3A_150 = arith.constant 0 : i32
        %dma_start3A_151 = tpu.memref_slice %arg8[%add3A_113, %dma_start3A_150] : memref<160x128xi32, #tpu.memory_space<vmem>> -> memref<1x128xi32, #tpu.memory_space<vmem>>
        %dma_start3A_152 = tpu.memref_squeeze %dma_start3A_151 : memref<1x128xi32, #tpu.memory_space<vmem>> -> memref<128xi32, #tpu.memory_space<vmem>>
        %dma_start3A_153 = arith.constant 0 : i32
        %dma_start3A_154 = arith.constant 0 : i32
        %dma_start3A_155 = tpu.memref_slice %arg14[%dma_start3A_153, %dma_start3A_154] : memref<10112x64xf32, #tpu.memory_space<vmem_shared>> -> memref<10112x64xf32, #tpu.memory_space<vmem_shared>>
        tpu.enqueue_indirect_dma source(%arg12 : memref<128x64xf32, #tpu.memory_space<vmem>>) target(%dma_start3A_155 : memref<10112x64xf32, #tpu.memory_space<vmem_shared>>) offsets(%dma_start3A_152 : memref<128xi32, #tpu.memory_space<vmem>>) semaphore(%run_scoped3A : memref<!tpu.dma_semaphore, #tpu.memory_space<semaphore_mem>>) {add = true}
        %dma_wait3A_156 = arith.constant 0 : i32
        %dma_wait3A_157 = tpu.memref_slice %arg8[%add3A_113, %dma_wait3A_156] : memref<160x128xi32, #tpu.memory_space<vmem>> -> memref<1x128xi32, #tpu.memory_space<vmem>>
        %dma_wait3A_158 = tpu.memref_squeeze %dma_wait3A_157 : memref<1x128xi32, #tpu.memory_space<vmem>> -> memref<128xi32, #tpu.memory_space<vmem>>
        %dma_wait3A_159 = arith.constant 0 : i32
        %dma_wait3A_160 = arith.constant 0 : i32
        %dma_wait3A_161 = tpu.memref_slice %arg14[%dma_wait3A_159, %dma_wait3A_160] : memref<10112x64xf32, #tpu.memory_space<vmem_shared>> -> memref<10112x64xf32, #tpu.memory_space<vmem_shared>>
        tpu.wait_indirect_dma semaphore(%run_scoped3A : memref<!tpu.dma_semaphore, #tpu.memory_space<semaphore_mem>>) src(%arg12 : memref<128x64xf32, #tpu.memory_space<vmem>>) dst(%dma_wait3A_161 : memref<10112x64xf32, #tpu.memory_space<vmem_shared>>)
        tpu.yield
      }) : () -> ()
      %add3A_124 = arith.constant 5 : i32
      %add3A_125 = arith.addi %add3A_113, %add3A_124 : i32
      %lt3A_126 = arith.constant 160 : i32
      %lt3A_127 = arith.cmpi slt, %add3A_125, %lt3A_126 : i32
      %convert_element_type3A_128 = arith.extui %lt3A_127 : i1 to i32
      %cond3A_129 = arith.constant 0 : i32
      %cond3A_130 = arith.cmpi ne, %convert_element_type3A_128, %cond3A_129 : i32
      scf.if %cond3A_130 {
        %add3A_150 = arith.constant 5 : i32
        %add3A_151 = arith.addi %add3A_113, %add3A_150 : i32
        %mul3A_152 = arith.constant 128 : i32
        %mul3A_153 = arith.muli %add3A_151, %mul3A_152 : i32
        %dma_start3A_154 = tpu.memref_slice %arg7[%mul3A_153] : memref<20480xi32, #tpu.memory_space<vmem>> -> memref<128xi32, #tpu.memory_space<vmem>>
        %dma_start3A_155 = arith.constant 0 : i32
        %dma_start3A_156 = arith.constant 0 : i32
        %dma_start3A_157 = tpu.memref_slice %arg2[%arg0, %dma_start3A_155, %dma_start3A_156] : memref<2x10000x64xf32, #tpu.memory_space<hbm>> -> memref<1x10000x64xf32, #tpu.memory_space<hbm>>
        %dma_start3A_158 = tpu.memref_squeeze %dma_start3A_157 : memref<1x10000x64xf32, #tpu.memory_space<hbm>> -> memref<10000x64xf32, #tpu.memory_space<hbm>>
        %dma_start3A_159 = arith.constant 0 : i32
        %dma_start3A_160 = arith.constant 0 : i32
        %dma_start3A_161 = tpu.memref_slice %dma_start3A_158[%dma_start3A_159, %dma_start3A_160] : memref<10000x64xf32, #tpu.memory_space<hbm>> -> memref<10000x64xf32, #tpu.memory_space<hbm>>
        tpu.enqueue_indirect_dma source(%dma_start3A_161 : memref<10000x64xf32, #tpu.memory_space<hbm>>) target(%arg12 : memref<128x64xf32, #tpu.memory_space<vmem>>) offsets(%dma_start3A_154 : memref<128xi32, #tpu.memory_space<vmem>>) semaphore(%arg18 : memref<!tpu.dma_semaphore, #tpu.memory_space<semaphore_mem>>)
      } else {
      }
      %add3A_131 = arith.constant 4 : i32
      %add3A_132 = arith.addi %mul3A_59, %add3A_131 : i32
      %mul3A_133 = arith.constant 128 : i32
      %mul3A_134 = arith.muli %add3A_132, %mul3A_133 : i32
      %dma_wait3A_135 = tpu.memref_slice %arg7[%mul3A_134] : memref<20480xi32, #tpu.memory_space<vmem>> -> memref<128xi32, #tpu.memory_space<vmem>>
      %dma_wait3A_136 = arith.constant 0 : i32
      %dma_wait3A_137 = arith.constant 0 : i32
      %dma_wait3A_138 = tpu.memref_slice %arg2[%arg0, %dma_wait3A_136, %dma_wait3A_137] : memref<2x10000x64xf32, #tpu.memory_space<hbm>> -> memref<1x10000x64xf32, #tpu.memory_space<hbm>>
      %dma_wait3A_139 = tpu.memref_squeeze %dma_wait3A_138 : memref<1x10000x64xf32, #tpu.memory_space<hbm>> -> memref<10000x64xf32, #tpu.memory_space<hbm>>
      %dma_wait3A_140 = arith.constant 0 : i32
      %dma_wait3A_141 = arith.constant 0 : i32
      %dma_wait3A_142 = tpu.memref_slice %dma_wait3A_139[%dma_wait3A_140, %dma_wait3A_141] : memref<10000x64xf32, #tpu.memory_space<hbm>> -> memref<10000x64xf32, #tpu.memory_space<hbm>>
      tpu.wait_indirect_dma semaphore(%arg19 : memref<!tpu.dma_semaphore, #tpu.memory_space<semaphore_mem>>) src(%dma_wait3A_142 : memref<10000x64xf32, #tpu.memory_space<hbm>>) dst(%arg13 : memref<128x64xf32, #tpu.memory_space<vmem>>)
      "tpu.region"() ({
        %run_scoped3A = tpu.sem_alloc : memref<!tpu.dma_semaphore, #tpu.memory_space<semaphore_mem>>
        %dma_start3A_150 = arith.constant 0 : i32
        %dma_start3A_151 = tpu.memref_slice %arg8[%add3A_132, %dma_start3A_150] : memref<160x128xi32, #tpu.memory_space<vmem>> -> memref<1x128xi32, #tpu.memory_space<vmem>>
        %dma_start3A_152 = tpu.memref_squeeze %dma_start3A_151 : memref<1x128xi32, #tpu.memory_space<vmem>> -> memref<128xi32, #tpu.memory_space<vmem>>
        %dma_start3A_153 = arith.constant 0 : i32
        %dma_start3A_154 = arith.constant 0 : i32
        %dma_start3A_155 = tpu.memref_slice %arg14[%dma_start3A_153, %dma_start3A_154] : memref<10112x64xf32, #tpu.memory_space<vmem_shared>> -> memref<10112x64xf32, #tpu.memory_space<vmem_shared>>
        tpu.enqueue_indirect_dma source(%arg13 : memref<128x64xf32, #tpu.memory_space<vmem>>) target(%dma_start3A_155 : memref<10112x64xf32, #tpu.memory_space<vmem_shared>>) offsets(%dma_start3A_152 : memref<128xi32, #tpu.memory_space<vmem>>) semaphore(%run_scoped3A : memref<!tpu.dma_semaphore, #tpu.memory_space<semaphore_mem>>) {add = true}
        %dma_wait3A_156 = arith.constant 0 : i32
        %dma_wait3A_157 = tpu.memref_slice %arg8[%add3A_132, %dma_wait3A_156] : memref<160x128xi32, #tpu.memory_space<vmem>> -> memref<1x128xi32, #tpu.memory_space<vmem>>
        %dma_wait3A_158 = tpu.memref_squeeze %dma_wait3A_157 : memref<1x128xi32, #tpu.memory_space<vmem>> -> memref<128xi32, #tpu.memory_space<vmem>>
        %dma_wait3A_159 = arith.constant 0 : i32
        %dma_wait3A_160 = arith.constant 0 : i32
        %dma_wait3A_161 = tpu.memref_slice %arg14[%dma_wait3A_159, %dma_wait3A_160] : memref<10112x64xf32, #tpu.memory_space<vmem_shared>> -> memref<10112x64xf32, #tpu.memory_space<vmem_shared>>
        tpu.wait_indirect_dma semaphore(%run_scoped3A : memref<!tpu.dma_semaphore, #tpu.memory_space<semaphore_mem>>) src(%arg13 : memref<128x64xf32, #tpu.memory_space<vmem>>) dst(%dma_wait3A_161 : memref<10112x64xf32, #tpu.memory_space<vmem_shared>>)
        tpu.yield
      }) : () -> ()
      %add3A_143 = arith.constant 5 : i32
      %add3A_144 = arith.addi %add3A_132, %add3A_143 : i32
      %lt3A_145 = arith.constant 160 : i32
      %lt3A_146 = arith.cmpi slt, %add3A_144, %lt3A_145 : i32
      %convert_element_type3A_147 = arith.extui %lt3A_146 : i1 to i32
      %cond3A_148 = arith.constant 0 : i32
      %cond3A_149 = arith.cmpi ne, %convert_element_type3A_147, %cond3A_148 : i32
      scf.if %cond3A_149 {
        %add3A_150 = arith.constant 5 : i32
        %add3A_151 = arith.addi %add3A_132, %add3A_150 : i32
        %mul3A_152 = arith.constant 128 : i32
        %mul3A_153 = arith.muli %add3A_151, %mul3A_152 : i32
        %dma_start3A_154 = tpu.memref_slice %arg7[%mul3A_153] : memref<20480xi32, #tpu.memory_space<vmem>> -> memref<128xi32, #tpu.memory_space<vmem>>
        %dma_start3A_155 = arith.constant 0 : i32
        %dma_start3A_156 = arith.constant 0 : i32
        %dma_start3A_157 = tpu.memref_slice %arg2[%arg0, %dma_start3A_155, %dma_start3A_156] : memref<2x10000x64xf32, #tpu.memory_space<hbm>> -> memref<1x10000x64xf32, #tpu.memory_space<hbm>>
        %dma_start3A_158 = tpu.memref_squeeze %dma_start3A_157 : memref<1x10000x64xf32, #tpu.memory_space<hbm>> -> memref<10000x64xf32, #tpu.memory_space<hbm>>
        %dma_start3A_159 = arith.constant 0 : i32
        %dma_start3A_160 = arith.constant 0 : i32
        %dma_start3A_161 = tpu.memref_slice %dma_start3A_158[%dma_start3A_159, %dma_start3A_160] : memref<10000x64xf32, #tpu.memory_space<hbm>> -> memref<10000x64xf32, #tpu.memory_space<hbm>>
        tpu.enqueue_indirect_dma source(%dma_start3A_161 : memref<10000x64xf32, #tpu.memory_space<hbm>>) target(%arg13 : memref<128x64xf32, #tpu.memory_space<vmem>>) offsets(%dma_start3A_154 : memref<128xi32, #tpu.memory_space<vmem>>) semaphore(%arg19 : memref<!tpu.dma_semaphore, #tpu.memory_space<semaphore_mem>>)
      } else {
      }
    }
    %scan3A_51 = arith.constant 32 : i32
    %barrier3A_52 = arith.constant 0 : index
    tpu.barrier barrier_id(%barrier3A_52)
    %mul3A_53 = arith.constant 632 : i32
    %mul3A_54 = arith.muli %arg1, %mul3A_53 : i32
    %mul3A_55 = arith.constant 632 : i32
    %mul3A_56 = arith.muli %arg1, %mul3A_55 : i32
    "tpu.region"() ({
      %run_scoped3A = tpu.sem_alloc : memref<!tpu.dma_semaphore, #tpu.memory_space<semaphore_mem>>
      %dma_start3A_57 = arith.constant 0 : i32
      %dma_start3A_58 = tpu.memref_slice %arg6[%arg0, %mul3A_56, %dma_start3A_57] : memref<2x10112x64xf32, #tpu.memory_space<hbm>> -> memref<1x632x64xf32, #tpu.memory_space<hbm>>
      %dma_start3A_59 = tpu.memref_squeeze %dma_start3A_58 : memref<1x632x64xf32, #tpu.memory_space<hbm>> -> memref<632x64xf32, #tpu.memory_space<hbm>>
      %dma_start3A_60 = arith.constant 0 : i32
      %dma_start3A_61 = tpu.memref_slice %arg14[%mul3A_54, %dma_start3A_60] : memref<10112x64xf32, #tpu.memory_space<vmem_shared>> -> memref<632x64xf32, #tpu.memory_space<vmem_shared>>
      tpu.enqueue_dma source(%dma_start3A_61 : memref<632x64xf32, #tpu.memory_space<vmem_shared>>) target(%dma_start3A_59 : memref<632x64xf32, #tpu.memory_space<hbm>>) target_semaphore(%run_scoped3A : memref<!tpu.dma_semaphore, #tpu.memory_space<semaphore_mem>>)
      %dma_wait3A = arith.constant 0 : i32
      %dma_wait3A_62 = tpu.memref_slice %arg6[%arg0, %mul3A_56, %dma_wait3A] : memref<2x10112x64xf32, #tpu.memory_space<hbm>> -> memref<1x632x64xf32, #tpu.memory_space<hbm>>
      %dma_wait3A_63 = tpu.memref_squeeze %dma_wait3A_62 : memref<1x632x64xf32, #tpu.memory_space<hbm>> -> memref<632x64xf32, #tpu.memory_space<hbm>>
      %dma_wait3A_64 = arith.constant 0 : i32
      %dma_wait3A_65 = tpu.memref_slice %arg14[%mul3A_54, %dma_wait3A_64] : memref<10112x64xf32, #tpu.memory_space<vmem_shared>> -> memref<632x64xf32, #tpu.memory_space<vmem_shared>>
      tpu.wait_dma2 semaphore(%run_scoped3A : memref<!tpu.dma_semaphore, #tpu.memory_space<semaphore_mem>>) src(%dma_wait3A_65 : memref<632x64xf32, #tpu.memory_space<vmem_shared>>) dst(%dma_wait3A_63 : memref<632x64xf32, #tpu.memory_space<hbm>>)
      tpu.yield
    }) : () -> ()
    return
  }
}

#map = affine_map<(d0, d1) -> (0, 0, 0)>
#map1 = affine_map<(d0, d1) -> (0, 0)>
module attributes {stable_mosaic.version = 14 : i64} {
  func.func @_sc_aggregate(%arg0: i32, %arg1: i32, %arg2: memref<2x10000x64xf32, #tpu.memory_space<hbm>>, %arg3: memref<16x20480xi32, #tpu.memory_space<hbm>>, %arg4: memref<16x160x128xi32, #tpu.memory_space<hbm>>, %arg5: memref<10112x64xf32, #tpu.memory_space<hbm>>, %arg6: memref<2x10112x64xf32, #tpu.memory_space<hbm>>, %arg7: memref<20480xi32, #tpu.memory_space<vmem>>, %arg8: memref<160x128xi32, #tpu.memory_space<vmem>>, %arg9: memref<128x64xf32, #tpu.memory_space<vmem>>, %arg10: memref<128x64xf32, #tpu.memory_space<vmem>>, %arg11: memref<128x64xf32, #tpu.memory_space<vmem>>, %arg12: memref<128x64xf32, #tpu.memory_space<vmem>>, %arg13: memref<128x64xf32, #tpu.memory_space<vmem>>, %arg14: memref<10112x64xf32, #tpu.memory_space<vmem_shared>>, %arg15: memref<!tpu.dma_semaphore, #tpu.memory_space<semaphore_mem>>, %arg16: memref<!tpu.dma_semaphore, #tpu.memory_space<semaphore_mem>>, %arg17: memref<!tpu.dma_semaphore, #tpu.memory_space<semaphore_mem>>, %arg18: memref<!tpu.dma_semaphore, #tpu.memory_space<semaphore_mem>>, %arg19: memref<!tpu.dma_semaphore, #tpu.memory_space<semaphore_mem>>) attributes {dimension_semantics = [#tpu.dimension_semantics<core_parallel>, #tpu.dimension_semantics<subcore_parallel>], iteration_bounds = array<i64: 2, 16>, scalar_prefetch = 0 : i64, scratch_operands = 13 : i64, tpu.core_type = #tpu.core_type<sc_vector_subcore>, window_params = [{transform_indices = #map}, {transform_indices = #map1}, {transform_indices = #map}, {transform_indices = #map1}, {transform_indices = #map}]} {
    %mul3A = arith.constant 632 : i32
    %mul3A_0 = arith.muli %arg1, %mul3A : i32
    %mul3A_1 = arith.constant 632 : i32
    %mul3A_2 = arith.muli %arg1, %mul3A_1 : i32
    "tpu.region"() ({
      %run_scoped3A = tpu.sem_alloc : memref<!tpu.dma_semaphore, #tpu.memory_space<semaphore_mem>>
      %dma_start3A_57 = arith.constant 0 : i32
      %dma_start3A_58 = tpu.memref_slice %arg14[%mul3A_2, %dma_start3A_57] : memref<10112x64xf32, #tpu.memory_space<vmem_shared>> -> memref<632x64xf32, #tpu.memory_space<vmem_shared>>
      %dma_start3A_59 = arith.constant 0 : i32
      %dma_start3A_60 = tpu.memref_slice %arg5[%mul3A_0, %dma_start3A_59] : memref<10112x64xf32, #tpu.memory_space<hbm>> -> memref<632x64xf32, #tpu.memory_space<hbm>>
      tpu.enqueue_dma source(%dma_start3A_60 : memref<632x64xf32, #tpu.memory_space<hbm>>) target(%dma_start3A_58 : memref<632x64xf32, #tpu.memory_space<vmem_shared>>) target_semaphore(%run_scoped3A : memref<!tpu.dma_semaphore, #tpu.memory_space<semaphore_mem>>)
      %dma_wait3A = arith.constant 0 : i32
      %dma_wait3A_61 = tpu.memref_slice %arg14[%mul3A_2, %dma_wait3A] : memref<10112x64xf32, #tpu.memory_space<vmem_shared>> -> memref<632x64xf32, #tpu.memory_space<vmem_shared>>
      %dma_wait3A_62 = arith.constant 0 : i32
      %dma_wait3A_63 = tpu.memref_slice %arg5[%mul3A_0, %dma_wait3A_62] : memref<10112x64xf32, #tpu.memory_space<hbm>> -> memref<632x64xf32, #tpu.memory_space<hbm>>
      tpu.wait_dma2 semaphore(%run_scoped3A : memref<!tpu.dma_semaphore, #tpu.memory_space<semaphore_mem>>) src(%dma_wait3A_63 : memref<632x64xf32, #tpu.memory_space<hbm>>) dst(%dma_wait3A_61 : memref<632x64xf32, #tpu.memory_space<vmem_shared>>)
      tpu.yield
    }) : () -> ()
    "tpu.region"() ({
      %run_scoped3A = tpu.sem_alloc : memref<!tpu.dma_semaphore, #tpu.memory_space<semaphore_mem>>
      %dma_start3A_57 = arith.constant 0 : i32
      %dma_start3A_58 = tpu.memref_slice %arg3[%arg1, %dma_start3A_57] : memref<16x20480xi32, #tpu.memory_space<hbm>> -> memref<1x20480xi32, #tpu.memory_space<hbm>>
      %dma_start3A_59 = tpu.memref_squeeze %dma_start3A_58 : memref<1x20480xi32, #tpu.memory_space<hbm>> -> memref<20480xi32, #tpu.memory_space<hbm>>
      %dma_start3A_60 = arith.constant 0 : i32
      %dma_start3A_61 = tpu.memref_slice %arg3[%arg1, %dma_start3A_60] : memref<16x20480xi32, #tpu.memory_space<hbm>> -> memref<1x20480xi32, #tpu.memory_space<hbm>>
      %dma_start3A_62 = tpu.memref_squeeze %dma_start3A_61 : memref<1x20480xi32, #tpu.memory_space<hbm>> -> memref<20480xi32, #tpu.memory_space<hbm>>
      tpu.enqueue_dma source(%dma_start3A_62 : memref<20480xi32, #tpu.memory_space<hbm>>) target(%arg7 : memref<20480xi32, #tpu.memory_space<vmem>>) target_semaphore(%run_scoped3A : memref<!tpu.dma_semaphore, #tpu.memory_space<semaphore_mem>>)
      %dma_wait3A = arith.constant 0 : i32
      %dma_wait3A_63 = tpu.memref_slice %arg3[%arg1, %dma_wait3A] : memref<16x20480xi32, #tpu.memory_space<hbm>> -> memref<1x20480xi32, #tpu.memory_space<hbm>>
      %dma_wait3A_64 = tpu.memref_squeeze %dma_wait3A_63 : memref<1x20480xi32, #tpu.memory_space<hbm>> -> memref<20480xi32, #tpu.memory_space<hbm>>
      %dma_wait3A_65 = arith.constant 0 : i32
      %dma_wait3A_66 = tpu.memref_slice %arg3[%arg1, %dma_wait3A_65] : memref<16x20480xi32, #tpu.memory_space<hbm>> -> memref<1x20480xi32, #tpu.memory_space<hbm>>
      %dma_wait3A_67 = tpu.memref_squeeze %dma_wait3A_66 : memref<1x20480xi32, #tpu.memory_space<hbm>> -> memref<20480xi32, #tpu.memory_space<hbm>>
      tpu.wait_dma2 semaphore(%run_scoped3A : memref<!tpu.dma_semaphore, #tpu.memory_space<semaphore_mem>>) src(%dma_wait3A_67 : memref<20480xi32, #tpu.memory_space<hbm>>) dst(%arg7 : memref<20480xi32, #tpu.memory_space<vmem>>)
      tpu.yield
    }) : () -> ()
    "tpu.region"() ({
      %run_scoped3A = tpu.sem_alloc : memref<!tpu.dma_semaphore, #tpu.memory_space<semaphore_mem>>
      %dma_start3A_57 = arith.constant 0 : i32
      %dma_start3A_58 = arith.constant 0 : i32
      %dma_start3A_59 = tpu.memref_slice %arg4[%arg1, %dma_start3A_57, %dma_start3A_58] : memref<16x160x128xi32, #tpu.memory_space<hbm>> -> memref<1x160x128xi32, #tpu.memory_space<hbm>>
      %dma_start3A_60 = tpu.memref_squeeze %dma_start3A_59 : memref<1x160x128xi32, #tpu.memory_space<hbm>> -> memref<160x128xi32, #tpu.memory_space<hbm>>
      %dma_start3A_61 = arith.constant 0 : i32
      %dma_start3A_62 = arith.constant 0 : i32
      %dma_start3A_63 = tpu.memref_slice %arg4[%arg1, %dma_start3A_61, %dma_start3A_62] : memref<16x160x128xi32, #tpu.memory_space<hbm>> -> memref<1x160x128xi32, #tpu.memory_space<hbm>>
      %dma_start3A_64 = tpu.memref_squeeze %dma_start3A_63 : memref<1x160x128xi32, #tpu.memory_space<hbm>> -> memref<160x128xi32, #tpu.memory_space<hbm>>
      tpu.enqueue_dma source(%dma_start3A_64 : memref<160x128xi32, #tpu.memory_space<hbm>>) target(%arg8 : memref<160x128xi32, #tpu.memory_space<vmem>>) target_semaphore(%run_scoped3A : memref<!tpu.dma_semaphore, #tpu.memory_space<semaphore_mem>>)
      %dma_wait3A = arith.constant 0 : i32
      %dma_wait3A_65 = arith.constant 0 : i32
      %dma_wait3A_66 = tpu.memref_slice %arg4[%arg1, %dma_wait3A, %dma_wait3A_65] : memref<16x160x128xi32, #tpu.memory_space<hbm>> -> memref<1x160x128xi32, #tpu.memory_space<hbm>>
      %dma_wait3A_67 = tpu.memref_squeeze %dma_wait3A_66 : memref<1x160x128xi32, #tpu.memory_space<hbm>> -> memref<160x128xi32, #tpu.memory_space<hbm>>
      %dma_wait3A_68 = arith.constant 0 : i32
      %dma_wait3A_69 = arith.constant 0 : i32
      %dma_wait3A_70 = tpu.memref_slice %arg4[%arg1, %dma_wait3A_68, %dma_wait3A_69] : memref<16x160x128xi32, #tpu.memory_space<hbm>> -> memref<1x160x128xi32, #tpu.memory_space<hbm>>
      %dma_wait3A_71 = tpu.memref_squeeze %dma_wait3A_70 : memref<1x160x128xi32, #tpu.memory_space<hbm>> -> memref<160x128xi32, #tpu.memory_space<hbm>>
      tpu.wait_dma2 semaphore(%run_scoped3A : memref<!tpu.dma_semaphore, #tpu.memory_space<semaphore_mem>>) src(%dma_wait3A_71 : memref<160x128xi32, #tpu.memory_space<hbm>>) dst(%arg8 : memref<160x128xi32, #tpu.memory_space<vmem>>)
      tpu.yield
    }) : () -> ()
    %barrier3A = arith.constant 0 : index
    tpu.barrier barrier_id(%barrier3A)
    %dma_start3A = arith.constant 0 : i32
    %dma_start3A_3 = tpu.memref_slice %arg7[%dma_start3A] : memref<20480xi32, #tpu.memory_space<vmem>> -> memref<128xi32, #tpu.memory_space<vmem>>
    %dma_start3A_4 = arith.constant 0 : i32
    %dma_start3A_5 = arith.constant 0 : i32
    %dma_start3A_6 = tpu.memref_slice %arg2[%arg0, %dma_start3A_4, %dma_start3A_5] : memref<2x10000x64xf32, #tpu.memory_space<hbm>> -> memref<1x10000x64xf32, #tpu.memory_space<hbm>>
    %dma_start3A_7 = tpu.memref_squeeze %dma_start3A_6 : memref<1x10000x64xf32, #tpu.memory_space<hbm>> -> memref<10000x64xf32, #tpu.memory_space<hbm>>
    %dma_start3A_8 = arith.constant 0 : i32
    %dma_start3A_9 = arith.constant 0 : i32
    %dma_start3A_10 = tpu.memref_slice %dma_start3A_7[%dma_start3A_8, %dma_start3A_9] : memref<10000x64xf32, #tpu.memory_space<hbm>> -> memref<10000x64xf32, #tpu.memory_space<hbm>>
    tpu.enqueue_indirect_dma source(%dma_start3A_10 : memref<10000x64xf32, #tpu.memory_space<hbm>>) target(%arg9 : memref<128x64xf32, #tpu.memory_space<vmem>>) offsets(%dma_start3A_3 : memref<128xi32, #tpu.memory_space<vmem>>) semaphore(%arg15 : memref<!tpu.dma_semaphore, #tpu.memory_space<semaphore_mem>>)
    %dma_start3A_11 = arith.constant 128 : i32
    %dma_start3A_12 = tpu.memref_slice %arg7[%dma_start3A_11] : memref<20480xi32, #tpu.memory_space<vmem>> -> memref<128xi32, #tpu.memory_space<vmem>>
    %dma_start3A_13 = arith.constant 0 : i32
    %dma_start3A_14 = arith.constant 0 : i32
    %dma_start3A_15 = tpu.memref_slice %arg2[%arg0, %dma_start3A_13, %dma_start3A_14] : memref<2x10000x64xf32, #tpu.memory_space<hbm>> -> memref<1x10000x64xf32, #tpu.memory_space<hbm>>
    %dma_start3A_16 = tpu.memref_squeeze %dma_start3A_15 : memref<1x10000x64xf32, #tpu.memory_space<hbm>> -> memref<10000x64xf32, #tpu.memory_space<hbm>>
    %dma_start3A_17 = arith.constant 0 : i32
    %dma_start3A_18 = arith.constant 0 : i32
    %dma_start3A_19 = tpu.memref_slice %dma_start3A_16[%dma_start3A_17, %dma_start3A_18] : memref<10000x64xf32, #tpu.memory_space<hbm>> -> memref<10000x64xf32, #tpu.memory_space<hbm>>
    tpu.enqueue_indirect_dma source(%dma_start3A_19 : memref<10000x64xf32, #tpu.memory_space<hbm>>) target(%arg10 : memref<128x64xf32, #tpu.memory_space<vmem>>) offsets(%dma_start3A_12 : memref<128xi32, #tpu.memory_space<vmem>>) semaphore(%arg16 : memref<!tpu.dma_semaphore, #tpu.memory_space<semaphore_mem>>)
    %dma_start3A_20 = arith.constant 256 : i32
    %dma_start3A_21 = tpu.memref_slice %arg7[%dma_start3A_20] : memref<20480xi32, #tpu.memory_space<vmem>> -> memref<128xi32, #tpu.memory_space<vmem>>
    %dma_start3A_22 = arith.constant 0 : i32
    %dma_start3A_23 = arith.constant 0 : i32
    %dma_start3A_24 = tpu.memref_slice %arg2[%arg0, %dma_start3A_22, %dma_start3A_23] : memref<2x10000x64xf32, #tpu.memory_space<hbm>> -> memref<1x10000x64xf32, #tpu.memory_space<hbm>>
    %dma_start3A_25 = tpu.memref_squeeze %dma_start3A_24 : memref<1x10000x64xf32, #tpu.memory_space<hbm>> -> memref<10000x64xf32, #tpu.memory_space<hbm>>
    %dma_start3A_26 = arith.constant 0 : i32
    %dma_start3A_27 = arith.constant 0 : i32
    %dma_start3A_28 = tpu.memref_slice %dma_start3A_25[%dma_start3A_26, %dma_start3A_27] : memref<10000x64xf32, #tpu.memory_space<hbm>> -> memref<10000x64xf32, #tpu.memory_space<hbm>>
    tpu.enqueue_indirect_dma source(%dma_start3A_28 : memref<10000x64xf32, #tpu.memory_space<hbm>>) target(%arg11 : memref<128x64xf32, #tpu.memory_space<vmem>>) offsets(%dma_start3A_21 : memref<128xi32, #tpu.memory_space<vmem>>) semaphore(%arg17 : memref<!tpu.dma_semaphore, #tpu.memory_space<semaphore_mem>>)
    %dma_start3A_29 = arith.constant 384 : i32
    %dma_start3A_30 = tpu.memref_slice %arg7[%dma_start3A_29] : memref<20480xi32, #tpu.memory_space<vmem>> -> memref<128xi32, #tpu.memory_space<vmem>>
    %dma_start3A_31 = arith.constant 0 : i32
    %dma_start3A_32 = arith.constant 0 : i32
    %dma_start3A_33 = tpu.memref_slice %arg2[%arg0, %dma_start3A_31, %dma_start3A_32] : memref<2x10000x64xf32, #tpu.memory_space<hbm>> -> memref<1x10000x64xf32, #tpu.memory_space<hbm>>
    %dma_start3A_34 = tpu.memref_squeeze %dma_start3A_33 : memref<1x10000x64xf32, #tpu.memory_space<hbm>> -> memref<10000x64xf32, #tpu.memory_space<hbm>>
    %dma_start3A_35 = arith.constant 0 : i32
    %dma_start3A_36 = arith.constant 0 : i32
    %dma_start3A_37 = tpu.memref_slice %dma_start3A_34[%dma_start3A_35, %dma_start3A_36] : memref<10000x64xf32, #tpu.memory_space<hbm>> -> memref<10000x64xf32, #tpu.memory_space<hbm>>
    tpu.enqueue_indirect_dma source(%dma_start3A_37 : memref<10000x64xf32, #tpu.memory_space<hbm>>) target(%arg12 : memref<128x64xf32, #tpu.memory_space<vmem>>) offsets(%dma_start3A_30 : memref<128xi32, #tpu.memory_space<vmem>>) semaphore(%arg18 : memref<!tpu.dma_semaphore, #tpu.memory_space<semaphore_mem>>)
    %dma_start3A_38 = arith.constant 512 : i32
    %dma_start3A_39 = tpu.memref_slice %arg7[%dma_start3A_38] : memref<20480xi32, #tpu.memory_space<vmem>> -> memref<128xi32, #tpu.memory_space<vmem>>
    %dma_start3A_40 = arith.constant 0 : i32
    %dma_start3A_41 = arith.constant 0 : i32
    %dma_start3A_42 = tpu.memref_slice %arg2[%arg0, %dma_start3A_40, %dma_start3A_41] : memref<2x10000x64xf32, #tpu.memory_space<hbm>> -> memref<1x10000x64xf32, #tpu.memory_space<hbm>>
    %dma_start3A_43 = tpu.memref_squeeze %dma_start3A_42 : memref<1x10000x64xf32, #tpu.memory_space<hbm>> -> memref<10000x64xf32, #tpu.memory_space<hbm>>
    %dma_start3A_44 = arith.constant 0 : i32
    %dma_start3A_45 = arith.constant 0 : i32
    %dma_start3A_46 = tpu.memref_slice %dma_start3A_43[%dma_start3A_44, %dma_start3A_45] : memref<10000x64xf32, #tpu.memory_space<hbm>> -> memref<10000x64xf32, #tpu.memory_space<hbm>>
    tpu.enqueue_indirect_dma source(%dma_start3A_46 : memref<10000x64xf32, #tpu.memory_space<hbm>>) target(%arg13 : memref<128x64xf32, #tpu.memory_space<vmem>>) offsets(%dma_start3A_39 : memref<128xi32, #tpu.memory_space<vmem>>) semaphore(%arg19 : memref<!tpu.dma_semaphore, #tpu.memory_space<semaphore_mem>>)
    %scan3A = arith.constant 0 : i32
    %scan3A_47 = arith.constant 0 : i32
    %scan3A_48 = arith.constant 32 : i32
    %scan3A_49 = arith.addi %scan3A_47, %scan3A_48 : i32
    %scan3A_50 = arith.constant 1 : i32
    scf.for %scan3A_57 = %scan3A_47 to %scan3A_49 step %scan3A_50  : i32 {
      %mul3A_58 = arith.constant 5 : i32
      %mul3A_59 = arith.muli %mul3A_58, %scan3A_57 : i32
      %add3A = arith.constant 0 : i32
      %add3A_60 = arith.addi %mul3A_59, %add3A : i32
      %mul3A_61 = arith.constant 128 : i32
      %mul3A_62 = arith.muli %add3A_60, %mul3A_61 : i32
      %dma_wait3A = tpu.memref_slice %arg7[%mul3A_62] : memref<20480xi32, #tpu.memory_space<vmem>> -> memref<128xi32, #tpu.memory_space<vmem>>
      %dma_wait3A_63 = arith.constant 0 : i32
      %dma_wait3A_64 = arith.constant 0 : i32
      %dma_wait3A_65 = tpu.memref_slice %arg2[%arg0, %dma_wait3A_63, %dma_wait3A_64] : memref<2x10000x64xf32, #tpu.memory_space<hbm>> -> memref<1x10000x64xf32, #tpu.memory_space<hbm>>
      %dma_wait3A_66 = tpu.memref_squeeze %dma_wait3A_65 : memref<1x10000x64xf32, #tpu.memory_space<hbm>> -> memref<10000x64xf32, #tpu.memory_space<hbm>>
      %dma_wait3A_67 = arith.constant 0 : i32
      %dma_wait3A_68 = arith.constant 0 : i32
      %dma_wait3A_69 = tpu.memref_slice %dma_wait3A_66[%dma_wait3A_67, %dma_wait3A_68] : memref<10000x64xf32, #tpu.memory_space<hbm>> -> memref<10000x64xf32, #tpu.memory_space<hbm>>
      tpu.wait_indirect_dma semaphore(%arg15 : memref<!tpu.dma_semaphore, #tpu.memory_space<semaphore_mem>>) src(%dma_wait3A_69 : memref<10000x64xf32, #tpu.memory_space<hbm>>) dst(%arg9 : memref<128x64xf32, #tpu.memory_space<vmem>>)
      "tpu.region"() ({
        %run_scoped3A = tpu.sem_alloc : memref<!tpu.dma_semaphore, #tpu.memory_space<semaphore_mem>>
        %dma_start3A_150 = arith.constant 0 : i32
        %dma_start3A_151 = tpu.memref_slice %arg8[%add3A_60, %dma_start3A_150] : memref<160x128xi32, #tpu.memory_space<vmem>> -> memref<1x128xi32, #tpu.memory_space<vmem>>
        %dma_start3A_152 = tpu.memref_squeeze %dma_start3A_151 : memref<1x128xi32, #tpu.memory_space<vmem>> -> memref<128xi32, #tpu.memory_space<vmem>>
        %dma_start3A_153 = arith.constant 0 : i32
        %dma_start3A_154 = arith.constant 0 : i32
        %dma_start3A_155 = tpu.memref_slice %arg14[%dma_start3A_153, %dma_start3A_154] : memref<10112x64xf32, #tpu.memory_space<vmem_shared>> -> memref<10112x64xf32, #tpu.memory_space<vmem_shared>>
        tpu.enqueue_indirect_dma source(%arg9 : memref<128x64xf32, #tpu.memory_space<vmem>>) target(%dma_start3A_155 : memref<10112x64xf32, #tpu.memory_space<vmem_shared>>) offsets(%dma_start3A_152 : memref<128xi32, #tpu.memory_space<vmem>>) semaphore(%run_scoped3A : memref<!tpu.dma_semaphore, #tpu.memory_space<semaphore_mem>>) {add = true}
        %dma_wait3A_156 = arith.constant 0 : i32
        %dma_wait3A_157 = tpu.memref_slice %arg8[%add3A_60, %dma_wait3A_156] : memref<160x128xi32, #tpu.memory_space<vmem>> -> memref<1x128xi32, #tpu.memory_space<vmem>>
        %dma_wait3A_158 = tpu.memref_squeeze %dma_wait3A_157 : memref<1x128xi32, #tpu.memory_space<vmem>> -> memref<128xi32, #tpu.memory_space<vmem>>
        %dma_wait3A_159 = arith.constant 0 : i32
        %dma_wait3A_160 = arith.constant 0 : i32
        %dma_wait3A_161 = tpu.memref_slice %arg14[%dma_wait3A_159, %dma_wait3A_160] : memref<10112x64xf32, #tpu.memory_space<vmem_shared>> -> memref<10112x64xf32, #tpu.memory_space<vmem_shared>>
        tpu.wait_indirect_dma semaphore(%run_scoped3A : memref<!tpu.dma_semaphore, #tpu.memory_space<semaphore_mem>>) src(%arg9 : memref<128x64xf32, #tpu.memory_space<vmem>>) dst(%dma_wait3A_161 : memref<10112x64xf32, #tpu.memory_space<vmem_shared>>)
        tpu.yield
      }) : () -> ()
      %add3A_70 = arith.constant 5 : i32
      %add3A_71 = arith.addi %add3A_60, %add3A_70 : i32
      %lt3A = arith.constant 160 : i32
      %lt3A_72 = arith.cmpi slt, %add3A_71, %lt3A : i32
      %convert_element_type3A = arith.extui %lt3A_72 : i1 to i32
      %cond3A = arith.constant 0 : i32
      %cond3A_73 = arith.cmpi ne, %convert_element_type3A, %cond3A : i32
      scf.if %cond3A_73 {
        %add3A_150 = arith.constant 5 : i32
        %add3A_151 = arith.addi %add3A_60, %add3A_150 : i32
        %mul3A_152 = arith.constant 128 : i32
        %mul3A_153 = arith.muli %add3A_151, %mul3A_152 : i32
        %dma_start3A_154 = tpu.memref_slice %arg7[%mul3A_153] : memref<20480xi32, #tpu.memory_space<vmem>> -> memref<128xi32, #tpu.memory_space<vmem>>
        %dma_start3A_155 = arith.constant 0 : i32
        %dma_start3A_156 = arith.constant 0 : i32
        %dma_start3A_157 = tpu.memref_slice %arg2[%arg0, %dma_start3A_155, %dma_start3A_156] : memref<2x10000x64xf32, #tpu.memory_space<hbm>> -> memref<1x10000x64xf32, #tpu.memory_space<hbm>>
        %dma_start3A_158 = tpu.memref_squeeze %dma_start3A_157 : memref<1x10000x64xf32, #tpu.memory_space<hbm>> -> memref<10000x64xf32, #tpu.memory_space<hbm>>
        %dma_start3A_159 = arith.constant 0 : i32
        %dma_start3A_160 = arith.constant 0 : i32
        %dma_start3A_161 = tpu.memref_slice %dma_start3A_158[%dma_start3A_159, %dma_start3A_160] : memref<10000x64xf32, #tpu.memory_space<hbm>> -> memref<10000x64xf32, #tpu.memory_space<hbm>>
        tpu.enqueue_indirect_dma source(%dma_start3A_161 : memref<10000x64xf32, #tpu.memory_space<hbm>>) target(%arg9 : memref<128x64xf32, #tpu.memory_space<vmem>>) offsets(%dma_start3A_154 : memref<128xi32, #tpu.memory_space<vmem>>) semaphore(%arg15 : memref<!tpu.dma_semaphore, #tpu.memory_space<semaphore_mem>>)
      } else {
      }
      %add3A_74 = arith.constant 1 : i32
      %add3A_75 = arith.addi %mul3A_59, %add3A_74 : i32
      %mul3A_76 = arith.constant 128 : i32
      %mul3A_77 = arith.muli %add3A_75, %mul3A_76 : i32
      %dma_wait3A_78 = tpu.memref_slice %arg7[%mul3A_77] : memref<20480xi32, #tpu.memory_space<vmem>> -> memref<128xi32, #tpu.memory_space<vmem>>
      %dma_wait3A_79 = arith.constant 0 : i32
      %dma_wait3A_80 = arith.constant 0 : i32
      %dma_wait3A_81 = tpu.memref_slice %arg2[%arg0, %dma_wait3A_79, %dma_wait3A_80] : memref<2x10000x64xf32, #tpu.memory_space<hbm>> -> memref<1x10000x64xf32, #tpu.memory_space<hbm>>
      %dma_wait3A_82 = tpu.memref_squeeze %dma_wait3A_81 : memref<1x10000x64xf32, #tpu.memory_space<hbm>> -> memref<10000x64xf32, #tpu.memory_space<hbm>>
      %dma_wait3A_83 = arith.constant 0 : i32
      %dma_wait3A_84 = arith.constant 0 : i32
      %dma_wait3A_85 = tpu.memref_slice %dma_wait3A_82[%dma_wait3A_83, %dma_wait3A_84] : memref<10000x64xf32, #tpu.memory_space<hbm>> -> memref<10000x64xf32, #tpu.memory_space<hbm>>
      tpu.wait_indirect_dma semaphore(%arg16 : memref<!tpu.dma_semaphore, #tpu.memory_space<semaphore_mem>>) src(%dma_wait3A_85 : memref<10000x64xf32, #tpu.memory_space<hbm>>) dst(%arg10 : memref<128x64xf32, #tpu.memory_space<vmem>>)
      "tpu.region"() ({
        %run_scoped3A = tpu.sem_alloc : memref<!tpu.dma_semaphore, #tpu.memory_space<semaphore_mem>>
        %dma_start3A_150 = arith.constant 0 : i32
        %dma_start3A_151 = tpu.memref_slice %arg8[%add3A_75, %dma_start3A_150] : memref<160x128xi32, #tpu.memory_space<vmem>> -> memref<1x128xi32, #tpu.memory_space<vmem>>
        %dma_start3A_152 = tpu.memref_squeeze %dma_start3A_151 : memref<1x128xi32, #tpu.memory_space<vmem>> -> memref<128xi32, #tpu.memory_space<vmem>>
        %dma_start3A_153 = arith.constant 0 : i32
        %dma_start3A_154 = arith.constant 0 : i32
        %dma_start3A_155 = tpu.memref_slice %arg14[%dma_start3A_153, %dma_start3A_154] : memref<10112x64xf32, #tpu.memory_space<vmem_shared>> -> memref<10112x64xf32, #tpu.memory_space<vmem_shared>>
        tpu.enqueue_indirect_dma source(%arg10 : memref<128x64xf32, #tpu.memory_space<vmem>>) target(%dma_start3A_155 : memref<10112x64xf32, #tpu.memory_space<vmem_shared>>) offsets(%dma_start3A_152 : memref<128xi32, #tpu.memory_space<vmem>>) semaphore(%run_scoped3A : memref<!tpu.dma_semaphore, #tpu.memory_space<semaphore_mem>>) {add = true}
        %dma_wait3A_156 = arith.constant 0 : i32
        %dma_wait3A_157 = tpu.memref_slice %arg8[%add3A_75, %dma_wait3A_156] : memref<160x128xi32, #tpu.memory_space<vmem>> -> memref<1x128xi32, #tpu.memory_space<vmem>>
        %dma_wait3A_158 = tpu.memref_squeeze %dma_wait3A_157 : memref<1x128xi32, #tpu.memory_space<vmem>> -> memref<128xi32, #tpu.memory_space<vmem>>
        %dma_wait3A_159 = arith.constant 0 : i32
        %dma_wait3A_160 = arith.constant 0 : i32
        %dma_wait3A_161 = tpu.memref_slice %arg14[%dma_wait3A_159, %dma_wait3A_160] : memref<10112x64xf32, #tpu.memory_space<vmem_shared>> -> memref<10112x64xf32, #tpu.memory_space<vmem_shared>>
        tpu.wait_indirect_dma semaphore(%run_scoped3A : memref<!tpu.dma_semaphore, #tpu.memory_space<semaphore_mem>>) src(%arg10 : memref<128x64xf32, #tpu.memory_space<vmem>>) dst(%dma_wait3A_161 : memref<10112x64xf32, #tpu.memory_space<vmem_shared>>)
        tpu.yield
      }) : () -> ()
      %add3A_86 = arith.constant 5 : i32
      %add3A_87 = arith.addi %add3A_75, %add3A_86 : i32
      %lt3A_88 = arith.constant 160 : i32
      %lt3A_89 = arith.cmpi slt, %add3A_87, %lt3A_88 : i32
      %convert_element_type3A_90 = arith.extui %lt3A_89 : i1 to i32
      %cond3A_91 = arith.constant 0 : i32
      %cond3A_92 = arith.cmpi ne, %convert_element_type3A_90, %cond3A_91 : i32
      scf.if %cond3A_92 {
        %add3A_150 = arith.constant 5 : i32
        %add3A_151 = arith.addi %add3A_75, %add3A_150 : i32
        %mul3A_152 = arith.constant 128 : i32
        %mul3A_153 = arith.muli %add3A_151, %mul3A_152 : i32
        %dma_start3A_154 = tpu.memref_slice %arg7[%mul3A_153] : memref<20480xi32, #tpu.memory_space<vmem>> -> memref<128xi32, #tpu.memory_space<vmem>>
        %dma_start3A_155 = arith.constant 0 : i32
        %dma_start3A_156 = arith.constant 0 : i32
        %dma_start3A_157 = tpu.memref_slice %arg2[%arg0, %dma_start3A_155, %dma_start3A_156] : memref<2x10000x64xf32, #tpu.memory_space<hbm>> -> memref<1x10000x64xf32, #tpu.memory_space<hbm>>
        %dma_start3A_158 = tpu.memref_squeeze %dma_start3A_157 : memref<1x10000x64xf32, #tpu.memory_space<hbm>> -> memref<10000x64xf32, #tpu.memory_space<hbm>>
        %dma_start3A_159 = arith.constant 0 : i32
        %dma_start3A_160 = arith.constant 0 : i32
        %dma_start3A_161 = tpu.memref_slice %dma_start3A_158[%dma_start3A_159, %dma_start3A_160] : memref<10000x64xf32, #tpu.memory_space<hbm>> -> memref<10000x64xf32, #tpu.memory_space<hbm>>
        tpu.enqueue_indirect_dma source(%dma_start3A_161 : memref<10000x64xf32, #tpu.memory_space<hbm>>) target(%arg10 : memref<128x64xf32, #tpu.memory_space<vmem>>) offsets(%dma_start3A_154 : memref<128xi32, #tpu.memory_space<vmem>>) semaphore(%arg16 : memref<!tpu.dma_semaphore, #tpu.memory_space<semaphore_mem>>)
      } else {
      }
      %add3A_93 = arith.constant 2 : i32
      %add3A_94 = arith.addi %mul3A_59, %add3A_93 : i32
      %mul3A_95 = arith.constant 128 : i32
      %mul3A_96 = arith.muli %add3A_94, %mul3A_95 : i32
      %dma_wait3A_97 = tpu.memref_slice %arg7[%mul3A_96] : memref<20480xi32, #tpu.memory_space<vmem>> -> memref<128xi32, #tpu.memory_space<vmem>>
      %dma_wait3A_98 = arith.constant 0 : i32
      %dma_wait3A_99 = arith.constant 0 : i32
      %dma_wait3A_100 = tpu.memref_slice %arg2[%arg0, %dma_wait3A_98, %dma_wait3A_99] : memref<2x10000x64xf32, #tpu.memory_space<hbm>> -> memref<1x10000x64xf32, #tpu.memory_space<hbm>>
      %dma_wait3A_101 = tpu.memref_squeeze %dma_wait3A_100 : memref<1x10000x64xf32, #tpu.memory_space<hbm>> -> memref<10000x64xf32, #tpu.memory_space<hbm>>
      %dma_wait3A_102 = arith.constant 0 : i32
      %dma_wait3A_103 = arith.constant 0 : i32
      %dma_wait3A_104 = tpu.memref_slice %dma_wait3A_101[%dma_wait3A_102, %dma_wait3A_103] : memref<10000x64xf32, #tpu.memory_space<hbm>> -> memref<10000x64xf32, #tpu.memory_space<hbm>>
      tpu.wait_indirect_dma semaphore(%arg17 : memref<!tpu.dma_semaphore, #tpu.memory_space<semaphore_mem>>) src(%dma_wait3A_104 : memref<10000x64xf32, #tpu.memory_space<hbm>>) dst(%arg11 : memref<128x64xf32, #tpu.memory_space<vmem>>)
      "tpu.region"() ({
        %run_scoped3A = tpu.sem_alloc : memref<!tpu.dma_semaphore, #tpu.memory_space<semaphore_mem>>
        %dma_start3A_150 = arith.constant 0 : i32
        %dma_start3A_151 = tpu.memref_slice %arg8[%add3A_94, %dma_start3A_150] : memref<160x128xi32, #tpu.memory_space<vmem>> -> memref<1x128xi32, #tpu.memory_space<vmem>>
        %dma_start3A_152 = tpu.memref_squeeze %dma_start3A_151 : memref<1x128xi32, #tpu.memory_space<vmem>> -> memref<128xi32, #tpu.memory_space<vmem>>
        %dma_start3A_153 = arith.constant 0 : i32
        %dma_start3A_154 = arith.constant 0 : i32
        %dma_start3A_155 = tpu.memref_slice %arg14[%dma_start3A_153, %dma_start3A_154] : memref<10112x64xf32, #tpu.memory_space<vmem_shared>> -> memref<10112x64xf32, #tpu.memory_space<vmem_shared>>
        tpu.enqueue_indirect_dma source(%arg11 : memref<128x64xf32, #tpu.memory_space<vmem>>) target(%dma_start3A_155 : memref<10112x64xf32, #tpu.memory_space<vmem_shared>>) offsets(%dma_start3A_152 : memref<128xi32, #tpu.memory_space<vmem>>) semaphore(%run_scoped3A : memref<!tpu.dma_semaphore, #tpu.memory_space<semaphore_mem>>) {add = true}
        %dma_wait3A_156 = arith.constant 0 : i32
        %dma_wait3A_157 = tpu.memref_slice %arg8[%add3A_94, %dma_wait3A_156] : memref<160x128xi32, #tpu.memory_space<vmem>> -> memref<1x128xi32, #tpu.memory_space<vmem>>
        %dma_wait3A_158 = tpu.memref_squeeze %dma_wait3A_157 : memref<1x128xi32, #tpu.memory_space<vmem>> -> memref<128xi32, #tpu.memory_space<vmem>>
        %dma_wait3A_159 = arith.constant 0 : i32
        %dma_wait3A_160 = arith.constant 0 : i32
        %dma_wait3A_161 = tpu.memref_slice %arg14[%dma_wait3A_159, %dma_wait3A_160] : memref<10112x64xf32, #tpu.memory_space<vmem_shared>> -> memref<10112x64xf32, #tpu.memory_space<vmem_shared>>
        tpu.wait_indirect_dma semaphore(%run_scoped3A : memref<!tpu.dma_semaphore, #tpu.memory_space<semaphore_mem>>) src(%arg11 : memref<128x64xf32, #tpu.memory_space<vmem>>) dst(%dma_wait3A_161 : memref<10112x64xf32, #tpu.memory_space<vmem_shared>>)
        tpu.yield
      }) : () -> ()
      %add3A_105 = arith.constant 5 : i32
      %add3A_106 = arith.addi %add3A_94, %add3A_105 : i32
      %lt3A_107 = arith.constant 160 : i32
      %lt3A_108 = arith.cmpi slt, %add3A_106, %lt3A_107 : i32
      %convert_element_type3A_109 = arith.extui %lt3A_108 : i1 to i32
      %cond3A_110 = arith.constant 0 : i32
      %cond3A_111 = arith.cmpi ne, %convert_element_type3A_109, %cond3A_110 : i32
      scf.if %cond3A_111 {
        %add3A_150 = arith.constant 5 : i32
        %add3A_151 = arith.addi %add3A_94, %add3A_150 : i32
        %mul3A_152 = arith.constant 128 : i32
        %mul3A_153 = arith.muli %add3A_151, %mul3A_152 : i32
        %dma_start3A_154 = tpu.memref_slice %arg7[%mul3A_153] : memref<20480xi32, #tpu.memory_space<vmem>> -> memref<128xi32, #tpu.memory_space<vmem>>
        %dma_start3A_155 = arith.constant 0 : i32
        %dma_start3A_156 = arith.constant 0 : i32
        %dma_start3A_157 = tpu.memref_slice %arg2[%arg0, %dma_start3A_155, %dma_start3A_156] : memref<2x10000x64xf32, #tpu.memory_space<hbm>> -> memref<1x10000x64xf32, #tpu.memory_space<hbm>>
        %dma_start3A_158 = tpu.memref_squeeze %dma_start3A_157 : memref<1x10000x64xf32, #tpu.memory_space<hbm>> -> memref<10000x64xf32, #tpu.memory_space<hbm>>
        %dma_start3A_159 = arith.constant 0 : i32
        %dma_start3A_160 = arith.constant 0 : i32
        %dma_start3A_161 = tpu.memref_slice %dma_start3A_158[%dma_start3A_159, %dma_start3A_160] : memref<10000x64xf32, #tpu.memory_space<hbm>> -> memref<10000x64xf32, #tpu.memory_space<hbm>>
        tpu.enqueue_indirect_dma source(%dma_start3A_161 : memref<10000x64xf32, #tpu.memory_space<hbm>>) target(%arg11 : memref<128x64xf32, #tpu.memory_space<vmem>>) offsets(%dma_start3A_154 : memref<128xi32, #tpu.memory_space<vmem>>) semaphore(%arg17 : memref<!tpu.dma_semaphore, #tpu.memory_space<semaphore_mem>>)
      } else {
      }
      %add3A_112 = arith.constant 3 : i32
      %add3A_113 = arith.addi %mul3A_59, %add3A_112 : i32
      %mul3A_114 = arith.constant 128 : i32
      %mul3A_115 = arith.muli %add3A_113, %mul3A_114 : i32
      %dma_wait3A_116 = tpu.memref_slice %arg7[%mul3A_115] : memref<20480xi32, #tpu.memory_space<vmem>> -> memref<128xi32, #tpu.memory_space<vmem>>
      %dma_wait3A_117 = arith.constant 0 : i32
      %dma_wait3A_118 = arith.constant 0 : i32
      %dma_wait3A_119 = tpu.memref_slice %arg2[%arg0, %dma_wait3A_117, %dma_wait3A_118] : memref<2x10000x64xf32, #tpu.memory_space<hbm>> -> memref<1x10000x64xf32, #tpu.memory_space<hbm>>
      %dma_wait3A_120 = tpu.memref_squeeze %dma_wait3A_119 : memref<1x10000x64xf32, #tpu.memory_space<hbm>> -> memref<10000x64xf32, #tpu.memory_space<hbm>>
      %dma_wait3A_121 = arith.constant 0 : i32
      %dma_wait3A_122 = arith.constant 0 : i32
      %dma_wait3A_123 = tpu.memref_slice %dma_wait3A_120[%dma_wait3A_121, %dma_wait3A_122] : memref<10000x64xf32, #tpu.memory_space<hbm>> -> memref<10000x64xf32, #tpu.memory_space<hbm>>
      tpu.wait_indirect_dma semaphore(%arg18 : memref<!tpu.dma_semaphore, #tpu.memory_space<semaphore_mem>>) src(%dma_wait3A_123 : memref<10000x64xf32, #tpu.memory_space<hbm>>) dst(%arg12 : memref<128x64xf32, #tpu.memory_space<vmem>>)
      "tpu.region"() ({
        %run_scoped3A = tpu.sem_alloc : memref<!tpu.dma_semaphore, #tpu.memory_space<semaphore_mem>>
        %dma_start3A_150 = arith.constant 0 : i32
        %dma_start3A_151 = tpu.memref_slice %arg8[%add3A_113, %dma_start3A_150] : memref<160x128xi32, #tpu.memory_space<vmem>> -> memref<1x128xi32, #tpu.memory_space<vmem>>
        %dma_start3A_152 = tpu.memref_squeeze %dma_start3A_151 : memref<1x128xi32, #tpu.memory_space<vmem>> -> memref<128xi32, #tpu.memory_space<vmem>>
        %dma_start3A_153 = arith.constant 0 : i32
        %dma_start3A_154 = arith.constant 0 : i32
        %dma_start3A_155 = tpu.memref_slice %arg14[%dma_start3A_153, %dma_start3A_154] : memref<10112x64xf32, #tpu.memory_space<vmem_shared>> -> memref<10112x64xf32, #tpu.memory_space<vmem_shared>>
        tpu.enqueue_indirect_dma source(%arg12 : memref<128x64xf32, #tpu.memory_space<vmem>>) target(%dma_start3A_155 : memref<10112x64xf32, #tpu.memory_space<vmem_shared>>) offsets(%dma_start3A_152 : memref<128xi32, #tpu.memory_space<vmem>>) semaphore(%run_scoped3A : memref<!tpu.dma_semaphore, #tpu.memory_space<semaphore_mem>>) {add = true}
        %dma_wait3A_156 = arith.constant 0 : i32
        %dma_wait3A_157 = tpu.memref_slice %arg8[%add3A_113, %dma_wait3A_156] : memref<160x128xi32, #tpu.memory_space<vmem>> -> memref<1x128xi32, #tpu.memory_space<vmem>>
        %dma_wait3A_158 = tpu.memref_squeeze %dma_wait3A_157 : memref<1x128xi32, #tpu.memory_space<vmem>> -> memref<128xi32, #tpu.memory_space<vmem>>
        %dma_wait3A_159 = arith.constant 0 : i32
        %dma_wait3A_160 = arith.constant 0 : i32
        %dma_wait3A_161 = tpu.memref_slice %arg14[%dma_wait3A_159, %dma_wait3A_160] : memref<10112x64xf32, #tpu.memory_space<vmem_shared>> -> memref<10112x64xf32, #tpu.memory_space<vmem_shared>>
        tpu.wait_indirect_dma semaphore(%run_scoped3A : memref<!tpu.dma_semaphore, #tpu.memory_space<semaphore_mem>>) src(%arg12 : memref<128x64xf32, #tpu.memory_space<vmem>>) dst(%dma_wait3A_161 : memref<10112x64xf32, #tpu.memory_space<vmem_shared>>)
        tpu.yield
      }) : () -> ()
      %add3A_124 = arith.constant 5 : i32
      %add3A_125 = arith.addi %add3A_113, %add3A_124 : i32
      %lt3A_126 = arith.constant 160 : i32
      %lt3A_127 = arith.cmpi slt, %add3A_125, %lt3A_126 : i32
      %convert_element_type3A_128 = arith.extui %lt3A_127 : i1 to i32
      %cond3A_129 = arith.constant 0 : i32
      %cond3A_130 = arith.cmpi ne, %convert_element_type3A_128, %cond3A_129 : i32
      scf.if %cond3A_130 {
        %add3A_150 = arith.constant 5 : i32
        %add3A_151 = arith.addi %add3A_113, %add3A_150 : i32
        %mul3A_152 = arith.constant 128 : i32
        %mul3A_153 = arith.muli %add3A_151, %mul3A_152 : i32
        %dma_start3A_154 = tpu.memref_slice %arg7[%mul3A_153] : memref<20480xi32, #tpu.memory_space<vmem>> -> memref<128xi32, #tpu.memory_space<vmem>>
        %dma_start3A_155 = arith.constant 0 : i32
        %dma_start3A_156 = arith.constant 0 : i32
        %dma_start3A_157 = tpu.memref_slice %arg2[%arg0, %dma_start3A_155, %dma_start3A_156] : memref<2x10000x64xf32, #tpu.memory_space<hbm>> -> memref<1x10000x64xf32, #tpu.memory_space<hbm>>
        %dma_start3A_158 = tpu.memref_squeeze %dma_start3A_157 : memref<1x10000x64xf32, #tpu.memory_space<hbm>> -> memref<10000x64xf32, #tpu.memory_space<hbm>>
        %dma_start3A_159 = arith.constant 0 : i32
        %dma_start3A_160 = arith.constant 0 : i32
        %dma_start3A_161 = tpu.memref_slice %dma_start3A_158[%dma_start3A_159, %dma_start3A_160] : memref<10000x64xf32, #tpu.memory_space<hbm>> -> memref<10000x64xf32, #tpu.memory_space<hbm>>
        tpu.enqueue_indirect_dma source(%dma_start3A_161 : memref<10000x64xf32, #tpu.memory_space<hbm>>) target(%arg12 : memref<128x64xf32, #tpu.memory_space<vmem>>) offsets(%dma_start3A_154 : memref<128xi32, #tpu.memory_space<vmem>>) semaphore(%arg18 : memref<!tpu.dma_semaphore, #tpu.memory_space<semaphore_mem>>)
      } else {
      }
      %add3A_131 = arith.constant 4 : i32
      %add3A_132 = arith.addi %mul3A_59, %add3A_131 : i32
      %mul3A_133 = arith.constant 128 : i32
      %mul3A_134 = arith.muli %add3A_132, %mul3A_133 : i32
      %dma_wait3A_135 = tpu.memref_slice %arg7[%mul3A_134] : memref<20480xi32, #tpu.memory_space<vmem>> -> memref<128xi32, #tpu.memory_space<vmem>>
      %dma_wait3A_136 = arith.constant 0 : i32
      %dma_wait3A_137 = arith.constant 0 : i32
      %dma_wait3A_138 = tpu.memref_slice %arg2[%arg0, %dma_wait3A_136, %dma_wait3A_137] : memref<2x10000x64xf32, #tpu.memory_space<hbm>> -> memref<1x10000x64xf32, #tpu.memory_space<hbm>>
      %dma_wait3A_139 = tpu.memref_squeeze %dma_wait3A_138 : memref<1x10000x64xf32, #tpu.memory_space<hbm>> -> memref<10000x64xf32, #tpu.memory_space<hbm>>
      %dma_wait3A_140 = arith.constant 0 : i32
      %dma_wait3A_141 = arith.constant 0 : i32
      %dma_wait3A_142 = tpu.memref_slice %dma_wait3A_139[%dma_wait3A_140, %dma_wait3A_141] : memref<10000x64xf32, #tpu.memory_space<hbm>> -> memref<10000x64xf32, #tpu.memory_space<hbm>>
      tpu.wait_indirect_dma semaphore(%arg19 : memref<!tpu.dma_semaphore, #tpu.memory_space<semaphore_mem>>) src(%dma_wait3A_142 : memref<10000x64xf32, #tpu.memory_space<hbm>>) dst(%arg13 : memref<128x64xf32, #tpu.memory_space<vmem>>)
      "tpu.region"() ({
        %run_scoped3A = tpu.sem_alloc : memref<!tpu.dma_semaphore, #tpu.memory_space<semaphore_mem>>
        %dma_start3A_150 = arith.constant 0 : i32
        %dma_start3A_151 = tpu.memref_slice %arg8[%add3A_132, %dma_start3A_150] : memref<160x128xi32, #tpu.memory_space<vmem>> -> memref<1x128xi32, #tpu.memory_space<vmem>>
        %dma_start3A_152 = tpu.memref_squeeze %dma_start3A_151 : memref<1x128xi32, #tpu.memory_space<vmem>> -> memref<128xi32, #tpu.memory_space<vmem>>
        %dma_start3A_153 = arith.constant 0 : i32
        %dma_start3A_154 = arith.constant 0 : i32
        %dma_start3A_155 = tpu.memref_slice %arg14[%dma_start3A_153, %dma_start3A_154] : memref<10112x64xf32, #tpu.memory_space<vmem_shared>> -> memref<10112x64xf32, #tpu.memory_space<vmem_shared>>
        tpu.enqueue_indirect_dma source(%arg13 : memref<128x64xf32, #tpu.memory_space<vmem>>) target(%dma_start3A_155 : memref<10112x64xf32, #tpu.memory_space<vmem_shared>>) offsets(%dma_start3A_152 : memref<128xi32, #tpu.memory_space<vmem>>) semaphore(%run_scoped3A : memref<!tpu.dma_semaphore, #tpu.memory_space<semaphore_mem>>) {add = true}
        %dma_wait3A_156 = arith.constant 0 : i32
        %dma_wait3A_157 = tpu.memref_slice %arg8[%add3A_132, %dma_wait3A_156] : memref<160x128xi32, #tpu.memory_space<vmem>> -> memref<1x128xi32, #tpu.memory_space<vmem>>
        %dma_wait3A_158 = tpu.memref_squeeze %dma_wait3A_157 : memref<1x128xi32, #tpu.memory_space<vmem>> -> memref<128xi32, #tpu.memory_space<vmem>>
        %dma_wait3A_159 = arith.constant 0 : i32
        %dma_wait3A_160 = arith.constant 0 : i32
        %dma_wait3A_161 = tpu.memref_slice %arg14[%dma_wait3A_159, %dma_wait3A_160] : memref<10112x64xf32, #tpu.memory_space<vmem_shared>> -> memref<10112x64xf32, #tpu.memory_space<vmem_shared>>
        tpu.wait_indirect_dma semaphore(%run_scoped3A : memref<!tpu.dma_semaphore, #tpu.memory_space<semaphore_mem>>) src(%arg13 : memref<128x64xf32, #tpu.memory_space<vmem>>) dst(%dma_wait3A_161 : memref<10112x64xf32, #tpu.memory_space<vmem_shared>>)
        tpu.yield
      }) : () -> ()
      %add3A_143 = arith.constant 5 : i32
      %add3A_144 = arith.addi %add3A_132, %add3A_143 : i32
      %lt3A_145 = arith.constant 160 : i32
      %lt3A_146 = arith.cmpi slt, %add3A_144, %lt3A_145 : i32
      %convert_element_type3A_147 = arith.extui %lt3A_146 : i1 to i32
      %cond3A_148 = arith.constant 0 : i32
      %cond3A_149 = arith.cmpi ne, %convert_element_type3A_147, %cond3A_148 : i32
      scf.if %cond3A_149 {
        %add3A_150 = arith.constant 5 : i32
        %add3A_151 = arith.addi %add3A_132, %add3A_150 : i32
        %mul3A_152 = arith.constant 128 : i32
        %mul3A_153 = arith.muli %add3A_151, %mul3A_152 : i32
        %dma_start3A_154 = tpu.memref_slice %arg7[%mul3A_153] : memref<20480xi32, #tpu.memory_space<vmem>> -> memref<128xi32, #tpu.memory_space<vmem>>
        %dma_start3A_155 = arith.constant 0 : i32
        %dma_start3A_156 = arith.constant 0 : i32
        %dma_start3A_157 = tpu.memref_slice %arg2[%arg0, %dma_start3A_155, %dma_start3A_156] : memref<2x10000x64xf32, #tpu.memory_space<hbm>> -> memref<1x10000x64xf32, #tpu.memory_space<hbm>>
        %dma_start3A_158 = tpu.memref_squeeze %dma_start3A_157 : memref<1x10000x64xf32, #tpu.memory_space<hbm>> -> memref<10000x64xf32, #tpu.memory_space<hbm>>
        %dma_start3A_159 = arith.constant 0 : i32
        %dma_start3A_160 = arith.constant 0 : i32
        %dma_start3A_161 = tpu.memref_slice %dma_start3A_158[%dma_start3A_159, %dma_start3A_160] : memref<10000x64xf32, #tpu.memory_space<hbm>> -> memref<10000x64xf32, #tpu.memory_space<hbm>>
        tpu.enqueue_indirect_dma source(%dma_start3A_161 : memref<10000x64xf32, #tpu.memory_space<hbm>>) target(%arg13 : memref<128x64xf32, #tpu.memory_space<vmem>>) offsets(%dma_start3A_154 : memref<128xi32, #tpu.memory_space<vmem>>) semaphore(%arg19 : memref<!tpu.dma_semaphore, #tpu.memory_space<semaphore_mem>>)
      } else {
      }
    }
    %scan3A_51 = arith.constant 32 : i32
    %barrier3A_52 = arith.constant 0 : index
    tpu.barrier barrier_id(%barrier3A_52)
    %mul3A_53 = arith.constant 632 : i32
    %mul3A_54 = arith.muli %arg1, %mul3A_53 : i32
    %mul3A_55 = arith.constant 632 : i32
    %mul3A_56 = arith.muli %arg1, %mul3A_55 : i32
    "tpu.region"() ({
      %run_scoped3A = tpu.sem_alloc : memref<!tpu.dma_semaphore, #tpu.memory_space<semaphore_mem>>
      %dma_start3A_57 = arith.constant 0 : i32
      %dma_start3A_58 = tpu.memref_slice %arg6[%arg0, %mul3A_56, %dma_start3A_57] : memref<2x10112x64xf32, #tpu.memory_space<hbm>> -> memref<1x632x64xf32, #tpu.memory_space<hbm>>
      %dma_start3A_59 = tpu.memref_squeeze %dma_start3A_58 : memref<1x632x64xf32, #tpu.memory_space<hbm>> -> memref<632x64xf32, #tpu.memory_space<hbm>>
      %dma_start3A_60 = arith.constant 0 : i32
      %dma_start3A_61 = tpu.memref_slice %arg14[%mul3A_54, %dma_start3A_60] : memref<10112x64xf32, #tpu.memory_space<vmem_shared>> -> memref<632x64xf32, #tpu.memory_space<vmem_shared>>
      tpu.enqueue_dma source(%dma_start3A_61 : memref<632x64xf32, #tpu.memory_space<vmem_shared>>) target(%dma_start3A_59 : memref<632x64xf32, #tpu.memory_space<hbm>>) target_semaphore(%run_scoped3A : memref<!tpu.dma_semaphore, #tpu.memory_space<semaphore_mem>>)
      %dma_wait3A = arith.constant 0 : i32
      %dma_wait3A_62 = tpu.memref_slice %arg6[%arg0, %mul3A_56, %dma_wait3A] : memref<2x10112x64xf32, #tpu.memory_space<hbm>> -> memref<1x632x64xf32, #tpu.memory_space<hbm>>
      %dma_wait3A_63 = tpu.memref_squeeze %dma_wait3A_62 : memref<1x632x64xf32, #tpu.memory_space<hbm>> -> memref<632x64xf32, #tpu.memory_space<hbm>>
      %dma_wait3A_64 = arith.constant 0 : i32
      %dma_wait3A_65 = tpu.memref_slice %arg14[%mul3A_54, %dma_wait3A_64] : memref<10112x64xf32, #tpu.memory_space<vmem_shared>> -> memref<632x64xf32, #tpu.memory_space<vmem_shared>>
      tpu.wait_dma2 semaphore(%run_scoped3A : memref<!tpu.dma_semaphore, #tpu.memory_space<semaphore_mem>>) src(%dma_wait3A_65 : memref<632x64xf32, #tpu.memory_space<vmem_shared>>) dst(%dma_wait3A_63 : memref<632x64xf32, #tpu.memory_space<hbm>>)
      tpu.yield
    }) : () -> ()
    return
  }
}

module attributes {stable_mosaic.version = 14 : i64} {
  func.func @_mlp_body(%arg0: i32, %arg1: memref<2x1000x64xf32, #tpu.memory_space<vmem>>, %arg2: memref<2x1000x64xf32, #tpu.memory_space<vmem>>, %arg3: memref<128x128xf32, #tpu.memory_space<vmem>>, %arg4: memref<1x128xf32, #tpu.memory_space<vmem>>, %arg5: memref<128x128xf32, #tpu.memory_space<vmem>>, %arg6: memref<1x128xf32, #tpu.memory_space<vmem>>, %arg7: memref<1000x128xf32, #tpu.memory_space<vmem>>, %arg8: memref<1x128xf32, #tpu.memory_space<vmem>>, %arg9: memref<1x128xf32, #tpu.memory_space<vmem>>) attributes {dimension_semantics = [#tpu.dimension_semantics<arbitrary>], iteration_bounds = array<i64: 10>, scalar_prefetch = 0 : i64, scratch_operands = 0 : i64, tpu.core_type = #tpu.core_type<tc>, window_params = [{transform_indices = @transform_0, window_bounds = array<i64: 2, 1000, 64>}, {transform_indices = @transform_1, window_bounds = array<i64: 2, 1000, 64>}, {pipeline_mode = #tpu.pipeline_mode<synchronous>, transform_indices = @transform_2, window_bounds = array<i64: 128, 128>}, {pipeline_mode = #tpu.pipeline_mode<synchronous>, transform_indices = @transform_3, window_bounds = array<i64: 1, 128>}, {pipeline_mode = #tpu.pipeline_mode<synchronous>, transform_indices = @transform_4, window_bounds = array<i64: 128, 128>}, {pipeline_mode = #tpu.pipeline_mode<synchronous>, transform_indices = @transform_5, window_bounds = array<i64: 1, 128>}, {transform_indices = @transform_6, window_bounds = array<i64: 1000, 128>}, {pipeline_mode = #tpu.pipeline_mode<synchronous>, transform_indices = @transform_7, window_bounds = array<i64: 1, 128>}, {pipeline_mode = #tpu.pipeline_mode<synchronous>, transform_indices = @transform_8, window_bounds = array<i64: 1, 128>}]} {
    %get3A = arith.constant 0 : index
    %get3A_0 = arith.constant 0 : index
    %get3A_1 = arith.constant 0 : index
    %get3A_2 = vector.load %arg1[%get3A, %get3A_0, %get3A_1] : memref<2x1000x64xf32, #tpu.memory_space<vmem>>, vector<1x1000x64xf32>
    %get3A_3 = vector.shape_cast %get3A_2 : vector<1x1000x64xf32> to vector<1000x64xf32>
    %get3A_4 = arith.constant 1 : index
    %get3A_5 = arith.constant 0 : index
    %get3A_6 = arith.constant 0 : index
    %get3A_7 = vector.load %arg1[%get3A_4, %get3A_5, %get3A_6] : memref<2x1000x64xf32, #tpu.memory_space<vmem>>, vector<1x1000x64xf32>
    %get3A_8 = vector.shape_cast %get3A_7 : vector<1x1000x64xf32> to vector<1000x64xf32>
    %concatenate3A = tpu.concatenate %get3A_3, %get3A_8 in 1 : vector<1000x64xf32>, vector<1000x64xf32> -> vector<1000x128xf32>
    %get3A_9 = arith.constant 0 : index
    %get3A_10 = arith.constant 0 : index
    %get3A_11 = arith.constant 0 : index
    %get3A_12 = vector.load %arg2[%get3A_9, %get3A_10, %get3A_11] : memref<2x1000x64xf32, #tpu.memory_space<vmem>>, vector<1x1000x64xf32>
    %get3A_13 = vector.shape_cast %get3A_12 : vector<1x1000x64xf32> to vector<1000x64xf32>
    %get3A_14 = arith.constant 1 : index
    %get3A_15 = arith.constant 0 : index
    %get3A_16 = arith.constant 0 : index
    %get3A_17 = vector.load %arg2[%get3A_14, %get3A_15, %get3A_16] : memref<2x1000x64xf32, #tpu.memory_space<vmem>>, vector<1x1000x64xf32>
    %get3A_18 = vector.shape_cast %get3A_17 : vector<1x1000x64xf32> to vector<1000x64xf32>
    %concatenate3A_19 = tpu.concatenate %get3A_13, %get3A_18 in 1 : vector<1000x64xf32>, vector<1000x64xf32> -> vector<1000x128xf32>
    %add3A = arith.addf %concatenate3A, %concatenate3A_19 : vector<1000x128xf32>
    %get3A_20 = arith.constant 0 : index
    %get3A_21 = arith.constant 0 : index
    %get3A_22 = vector.load %arg3[%get3A_20, %get3A_21] : memref<128x128xf32, #tpu.memory_space<vmem>>, vector<128x128xf32>
    %dot_general3A = arith.constant dense<0.000000e+00> : vector<1000x128xf32>
    %dot_general3A_23 = tpu.matmul %add3A, %get3A_22, %dot_general3A {dimension_numbers = #tpu.dot_dimension_numbers<[1], [0], [0], [1], [0, 0, 1, 1], [], []>, transpose_lhs_hint = false} : vector<1000x128xf32>, vector<128x128xf32>, vector<1000x128xf32> -> vector<1000x128xf32>
    %get3A_24 = arith.constant 0 : index
    %get3A_25 = arith.constant 0 : index
    %get3A_26 = vector.load %arg4[%get3A_24, %get3A_25] : memref<1x128xf32, #tpu.memory_space<vmem>>, vector<1x128xf32>
    %add3A_27 = vector.broadcast %get3A_26 : vector<1x128xf32> to vector<1000x128xf32>
    %add3A_28 = arith.addf %dot_general3A_23, %add3A_27 : vector<1000x128xf32>
    %max3A = arith.constant 0.000000e+00 : f32
    %max3A_29 = vector.broadcast %max3A : f32 to vector<1000x128xf32>
    %max3A_30 = arith.maximumf %add3A_28, %max3A_29 : vector<1000x128xf32>
    %get3A_31 = arith.constant 0 : index
    %get3A_32 = arith.constant 0 : index
    %get3A_33 = vector.load %arg5[%get3A_31, %get3A_32] : memref<128x128xf32, #tpu.memory_space<vmem>>, vector<128x128xf32>
    %dot_general3A_34 = arith.constant dense<0.000000e+00> : vector<1000x128xf32>
    %dot_general3A_35 = tpu.matmul %max3A_30, %get3A_33, %dot_general3A_34 {dimension_numbers = #tpu.dot_dimension_numbers<[1], [0], [0], [1], [0, 0, 1, 1], [], []>, transpose_lhs_hint = false} : vector<1000x128xf32>, vector<128x128xf32>, vector<1000x128xf32> -> vector<1000x128xf32>
    %get3A_36 = arith.constant 0 : index
    %get3A_37 = arith.constant 0 : index
    %get3A_38 = vector.load %arg6[%get3A_36, %get3A_37] : memref<1x128xf32, #tpu.memory_space<vmem>>, vector<1x128xf32>
    %add3A_39 = vector.broadcast %get3A_38 : vector<1x128xf32> to vector<1000x128xf32>
    %add3A_40 = arith.addf %dot_general3A_35, %add3A_39 : vector<1000x128xf32>
    %max3A_41 = arith.constant 0.000000e+00 : f32
    %max3A_42 = vector.broadcast %max3A_41 : f32 to vector<1000x128xf32>
    %max3A_43 = arith.maximumf %add3A_40, %max3A_42 : vector<1000x128xf32>
    %swap3A = arith.constant 0 : index
    %swap3A_44 = arith.constant 0 : index
    %swap3A_45 = vector.load %arg7[%swap3A, %swap3A_44] : memref<1000x128xf32, #tpu.memory_space<vmem>>, vector<1000x128xf32>
    tpu.vector_store %arg7[%swap3A, %swap3A_44], %max3A_43 {strides = array<i32>} : memref<1000x128xf32, #tpu.memory_space<vmem>>, vector<1000x128xf32>,
    %eq3A = arith.constant 0 : i32
    %eq3A_46 = arith.cmpi eq, %arg0, %eq3A : i32
    %convert_element_type3A = arith.extui %eq3A_46 : i1 to i32
    %cond3A = arith.constant 0 : i32
    %cond3A_47 = arith.cmpi ne, %convert_element_type3A, %cond3A : i32
    scf.if %cond3A_47 {
      %broadcast_in_dim3A_66 = arith.constant 0.000000e+00 : f32
      %broadcast_in_dim3A_67 = vector.broadcast %broadcast_in_dim3A_66 : f32 to vector<1x128xf32>
      %swap3A_68 = arith.constant 0 : index
      %swap3A_69 = arith.constant 0 : index
      %swap3A_70 = vector.load %arg8[%swap3A_68, %swap3A_69] : memref<1x128xf32, #tpu.memory_space<vmem>>, vector<1x128xf32>
      tpu.vector_store %arg8[%swap3A_68, %swap3A_69], %broadcast_in_dim3A_67 {strides = array<i32>} : memref<1x128xf32, #tpu.memory_space<vmem>>, vector<1x128xf32>,
      %broadcast_in_dim3A_71 = arith.constant 0.000000e+00 : f32
      %broadcast_in_dim3A_72 = vector.broadcast %broadcast_in_dim3A_71 : f32 to vector<1x128xf32>
      %swap3A_73 = arith.constant 0 : index
      %swap3A_74 = arith.constant 0 : index
      %swap3A_75 = vector.load %arg9[%swap3A_73, %swap3A_74] : memref<1x128xf32, #tpu.memory_space<vmem>>, vector<1x128xf32>
      tpu.vector_store %arg9[%swap3A_73, %swap3A_74], %broadcast_in_dim3A_72 {strides = array<i32>} : memref<1x128xf32, #tpu.memory_space<vmem>>, vector<1x128xf32>,
    } else {
    }
    %get3A_48 = arith.constant 0 : index
    %get3A_49 = arith.constant 0 : index
    %get3A_50 = vector.load %arg8[%get3A_48, %get3A_49] : memref<1x128xf32, #tpu.memory_space<vmem>>, vector<1x128xf32>
    %reduce_sum3A = arith.constant dense<0.000000e+00> : vector<128xf32>
    %reduce_sum3A_51 = vector.multi_reduction <add>, %max3A_43, %reduce_sum3A [0] : vector<1000x128xf32> to vector<128xf32>
    %broadcast_in_dim3A = vector.shape_cast %reduce_sum3A_51 : vector<128xf32> to vector<1x128xf32>
    %add3A_52 = arith.addf %get3A_50, %broadcast_in_dim3A : vector<1x128xf32>
    %swap3A_53 = arith.constant 0 : index
    %swap3A_54 = arith.constant 0 : index
    %swap3A_55 = vector.load %arg8[%swap3A_53, %swap3A_54] : memref<1x128xf32, #tpu.memory_space<vmem>>, vector<1x128xf32>
    tpu.vector_store %arg8[%swap3A_53, %swap3A_54], %add3A_52 {strides = array<i32>} : memref<1x128xf32, #tpu.memory_space<vmem>>, vector<1x128xf32>,
    %get3A_56 = arith.constant 0 : index
    %get3A_57 = arith.constant 0 : index
    %get3A_58 = vector.load %arg9[%get3A_56, %get3A_57] : memref<1x128xf32, #tpu.memory_space<vmem>>, vector<1x128xf32>
    %mul3A = arith.mulf %max3A_43, %max3A_43 : vector<1000x128xf32>
    %reduce_sum3A_59 = arith.constant dense<0.000000e+00> : vector<128xf32>
    %reduce_sum3A_60 = vector.multi_reduction <add>, %mul3A, %reduce_sum3A_59 [0] : vector<1000x128xf32> to vector<128xf32>
    %broadcast_in_dim3A_61 = vector.shape_cast %reduce_sum3A_60 : vector<128xf32> to vector<1x128xf32>
    %add3A_62 = arith.addf %get3A_58, %broadcast_in_dim3A_61 : vector<1x128xf32>
    %swap3A_63 = arith.constant 0 : index
    %swap3A_64 = arith.constant 0 : index
    %swap3A_65 = vector.load %arg9[%swap3A_63, %swap3A_64] : memref<1x128xf32, #tpu.memory_space<vmem>>, vector<1x128xf32>
    tpu.vector_store %arg9[%swap3A_63, %swap3A_64], %add3A_62 {strides = array<i32>} : memref<1x128xf32, #tpu.memory_space<vmem>>, vector<1x128xf32>,
    return
  }
  func.func @transform_0(%arg0: i32) -> (i32, i32, i32) {
    %c0_i32 = arith.constant 0 : i32
    %c0_i32_0 = arith.constant 0 : i32
    %c0_i32_1 = arith.constant 0 : i32
    return %c0_i32, %arg0, %c0_i32_0 : i32, i32, i32
  }
  func.func @transform_1(%arg0: i32) -> (i32, i32, i32) {
    %c0_i32 = arith.constant 0 : i32
    %c0_i32_0 = arith.constant 0 : i32
    %c0_i32_1 = arith.constant 0 : i32
    return %c0_i32, %arg0, %c0_i32_0 : i32, i32, i32
  }
  func.func @transform_2(%arg0: i32) -> (i32, i32) {
    %c0_i32 = arith.constant 0 : i32
    %c0_i32_0 = arith.constant 0 : i32
    %c0_i32_1 = arith.constant 0 : i32
    return %c0_i32, %c0_i32_0 : i32, i32
  }
  func.func @transform_3(%arg0: i32) -> (i32, i32) {
    %c0_i32 = arith.constant 0 : i32
    %c0_i32_0 = arith.constant 0 : i32
    %c0_i32_1 = arith.constant 0 : i32
    return %c0_i32, %c0_i32_0 : i32, i32
  }
  func.func @transform_4(%arg0: i32) -> (i32, i32) {
    %c0_i32 = arith.constant 0 : i32
    %c0_i32_0 = arith.constant 0 : i32
    %c0_i32_1 = arith.constant 0 : i32
    return %c0_i32, %c0_i32_0 : i32, i32
  }
  func.func @transform_5(%arg0: i32) -> (i32, i32) {
    %c0_i32 = arith.constant 0 : i32
    %c0_i32_0 = arith.constant 0 : i32
    %c0_i32_1 = arith.constant 0 : i32
    return %c0_i32, %c0_i32_0 : i32, i32
  }
  func.func @transform_6(%arg0: i32) -> (i32, i32) {
    %c0_i32 = arith.constant 0 : i32
    %c0_i32_0 = arith.constant 0 : i32
    return %arg0, %c0_i32 : i32, i32
  }
  func.func @transform_7(%arg0: i32) -> (i32, i32) {
    %c0_i32 = arith.constant 0 : i32
    %c0_i32_0 = arith.constant 0 : i32
    %c0_i32_1 = arith.constant 0 : i32
    return %c0_i32, %c0_i32_0 : i32, i32
  }
  func.func @transform_8(%arg0: i32) -> (i32, i32) {
    %c0_i32 = arith.constant 0 : i32
    %c0_i32_0 = arith.constant 0 : i32
    %c0_i32_1 = arith.constant 0 : i32
    return %c0_i32, %c0_i32_0 : i32, i32
  }
}

module attributes {stable_mosaic.version = 14 : i64} {
  func.func @_bn_body(%arg0: i32, %arg1: memref<1000x128xf32, #tpu.memory_space<vmem>>, %arg2: memref<1x128xf32, #tpu.memory_space<vmem>>, %arg3: memref<1x128xf32, #tpu.memory_space<vmem>>, %arg4: memref<1x128xf32, #tpu.memory_space<vmem>>, %arg5: memref<1x128xf32, #tpu.memory_space<vmem>>, %arg6: memref<2x1000x64xf32, #tpu.memory_space<vmem>>) attributes {dimension_semantics = [#tpu.dimension_semantics<arbitrary>], iteration_bounds = array<i64: 10>, scalar_prefetch = 0 : i64, scratch_operands = 0 : i64, tpu.core_type = #tpu.core_type<tc>, window_params = [{transform_indices = @transform_0, window_bounds = array<i64: 1000, 128>}, {pipeline_mode = #tpu.pipeline_mode<synchronous>, transform_indices = @transform_1, window_bounds = array<i64: 1, 128>}, {pipeline_mode = #tpu.pipeline_mode<synchronous>, transform_indices = @transform_2, window_bounds = array<i64: 1, 128>}, {pipeline_mode = #tpu.pipeline_mode<synchronous>, transform_indices = @transform_3, window_bounds = array<i64: 1, 128>}, {pipeline_mode = #tpu.pipeline_mode<synchronous>, transform_indices = @transform_4, window_bounds = array<i64: 1, 128>}, {transform_indices = @transform_5, window_bounds = array<i64: 2, 1000, 64>}]} {
    %get3A = arith.constant 0 : index
    %get3A_0 = arith.constant 0 : index
    %get3A_1 = vector.load %arg2[%get3A, %get3A_0] : memref<1x128xf32, #tpu.memory_space<vmem>>, vector<1x128xf32>
    %mul3A = arith.constant 9.99999974E-5 : f32
    %mul3A_2 = vector.broadcast %mul3A : f32 to vector<1x128xf32>
    %mul3A_3 = arith.mulf %get3A_1, %mul3A_2 : vector<1x128xf32>
    %get3A_4 = arith.constant 0 : index
    %get3A_5 = arith.constant 0 : index
    %get3A_6 = vector.load %arg3[%get3A_4, %get3A_5] : memref<1x128xf32, #tpu.memory_space<vmem>>, vector<1x128xf32>
    %mul3A_7 = arith.constant 9.99999974E-5 : f32
    %mul3A_8 = vector.broadcast %mul3A_7 : f32 to vector<1x128xf32>
    %mul3A_9 = arith.mulf %get3A_6, %mul3A_8 : vector<1x128xf32>
    %mul3A_10 = arith.mulf %mul3A_3, %mul3A_3 : vector<1x128xf32>
    %sub3A = arith.subf %mul3A_9, %mul3A_10 : vector<1x128xf32>
    %get3A_11 = arith.constant 0 : index
    %get3A_12 = arith.constant 0 : index
    %get3A_13 = vector.load %arg4[%get3A_11, %get3A_12] : memref<1x128xf32, #tpu.memory_space<vmem>>, vector<1x128xf32>
    %add3A = arith.constant 9.99999974E-6 : f32
    %add3A_14 = vector.broadcast %add3A : f32 to vector<1x128xf32>
    %add3A_15 = arith.addf %sub3A, %add3A_14 : vector<1x128xf32>
    %rsqrt3A = math.rsqrt %add3A_15 : vector<1x128xf32>
    %mul3A_16 = arith.mulf %get3A_13, %rsqrt3A : vector<1x128xf32>
    %get3A_17 = arith.constant 0 : index
    %get3A_18 = arith.constant 0 : index
    %get3A_19 = vector.load %arg1[%get3A_17, %get3A_18] : memref<1000x128xf32, #tpu.memory_space<vmem>>, vector<1000x128xf32>
    %mul3A_20 = vector.broadcast %mul3A_16 : vector<1x128xf32> to vector<1000x128xf32>
    %mul3A_21 = arith.mulf %get3A_19, %mul3A_20 : vector<1000x128xf32>
    %get3A_22 = arith.constant 0 : index
    %get3A_23 = arith.constant 0 : index
    %get3A_24 = vector.load %arg5[%get3A_22, %get3A_23] : memref<1x128xf32, #tpu.memory_space<vmem>>, vector<1x128xf32>
    %mul3A_25 = arith.mulf %mul3A_3, %mul3A_16 : vector<1x128xf32>
    %sub3A_26 = arith.subf %get3A_24, %mul3A_25 : vector<1x128xf32>
    %add3A_27 = vector.broadcast %sub3A_26 : vector<1x128xf32> to vector<1000x128xf32>
    %add3A_28 = arith.addf %mul3A_21, %add3A_27 : vector<1000x128xf32>
    %slice3A = vector.extract_strided_slice %add3A_28 {offsets = [0, 0], sizes = [1000, 64], strides = [1, 1]} : vector<1000x128xf32> to vector<1000x64xf32>
    %swap3A = arith.constant 0 : index
    %swap3A_29 = arith.constant 0 : index
    %swap3A_30 = arith.constant 0 : index
    %swap3A_31 = vector.load %arg6[%swap3A, %swap3A_29, %swap3A_30] : memref<2x1000x64xf32, #tpu.memory_space<vmem>>, vector<1x1000x64xf32>
    %swap3A_32 = vector.shape_cast %swap3A_31 : vector<1x1000x64xf32> to vector<1000x64xf32>
    %swap3A_33 = vector.shape_cast %slice3A : vector<1000x64xf32> to vector<1x1000x64xf32>
    tpu.vector_store %arg6[%swap3A, %swap3A_29, %swap3A_30], %swap3A_33 {strides = array<i32>} : memref<2x1000x64xf32, #tpu.memory_space<vmem>>, vector<1x1000x64xf32>,
    %slice3A_34 = vector.extract_strided_slice %add3A_28 {offsets = [0, 64], sizes = [1000, 64], strides = [1, 1]} : vector<1000x128xf32> to vector<1000x64xf32>
    %swap3A_35 = arith.constant 1 : index
    %swap3A_36 = arith.constant 0 : index
    %swap3A_37 = arith.constant 0 : index
    %swap3A_38 = vector.load %arg6[%swap3A_35, %swap3A_36, %swap3A_37] : memref<2x1000x64xf32, #tpu.memory_space<vmem>>, vector<1x1000x64xf32>
    %swap3A_39 = vector.shape_cast %swap3A_38 : vector<1x1000x64xf32> to vector<1000x64xf32>
    %swap3A_40 = vector.shape_cast %slice3A_34 : vector<1000x64xf32> to vector<1x1000x64xf32>
    tpu.vector_store %arg6[%swap3A_35, %swap3A_36, %swap3A_37], %swap3A_40 {strides = array<i32>} : memref<2x1000x64xf32, #tpu.memory_space<vmem>>, vector<1x1000x64xf32>,
    return
  }
  func.func @transform_0(%arg0: i32) -> (i32, i32) {
    %c0_i32 = arith.constant 0 : i32
    %c0_i32_0 = arith.constant 0 : i32
    return %arg0, %c0_i32 : i32, i32
  }
  func.func @transform_1(%arg0: i32) -> (i32, i32) {
    %c0_i32 = arith.constant 0 : i32
    %c0_i32_0 = arith.constant 0 : i32
    %c0_i32_1 = arith.constant 0 : i32
    return %c0_i32, %c0_i32_0 : i32, i32
  }
  func.func @transform_2(%arg0: i32) -> (i32, i32) {
    %c0_i32 = arith.constant 0 : i32
    %c0_i32_0 = arith.constant 0 : i32
    %c0_i32_1 = arith.constant 0 : i32
    return %c0_i32, %c0_i32_0 : i32, i32
  }
  func.func @transform_3(%arg0: i32) -> (i32, i32) {
    %c0_i32 = arith.constant 0 : i32
    %c0_i32_0 = arith.constant 0 : i32
    %c0_i32_1 = arith.constant 0 : i32
    return %c0_i32, %c0_i32_0 : i32, i32
  }
  func.func @transform_4(%arg0: i32) -> (i32, i32) {
    %c0_i32 = arith.constant 0 : i32
    %c0_i32_0 = arith.constant 0 : i32
    %c0_i32_1 = arith.constant 0 : i32
    return %c0_i32, %c0_i32_0 : i32, i32
  }
  func.func @transform_5(%arg0: i32) -> (i32, i32, i32) {
    %c0_i32 = arith.constant 0 : i32
    %c0_i32_0 = arith.constant 0 : i32
    %c0_i32_1 = arith.constant 0 : i32
    return %c0_i32, %arg0, %c0_i32_0 : i32, i32, i32
  }
}

module attributes {stable_mosaic.version = 14 : i64} {
  func.func @_mlp1_body(%arg0: i32, %arg1: memref<2x1000x64xf32, #tpu.memory_space<vmem>>, %arg2: memref<2x1000x64xf32, #tpu.memory_space<vmem>>, %arg3: memref<1x1x1000xi32, #tpu.memory_space<vmem>>, %arg4: memref<128x128xf32, #tpu.memory_space<vmem>>, %arg5: memref<1x128xf32, #tpu.memory_space<vmem>>, %arg6: memref<128x128xf32, #tpu.memory_space<vmem>>, %arg7: memref<1x128xf32, #tpu.memory_space<vmem>>, %arg8: memref<1x128xf32, #tpu.memory_space<vmem>>, %arg9: memref<1x128xf32, #tpu.memory_space<vmem>>, %arg10: memref<64x128xf32, #tpu.memory_space<vmem>>, %arg11: memref<64x128xf32, #tpu.memory_space<vmem>>) attributes {dimension_semantics = [#tpu.dimension_semantics<arbitrary>], iteration_bounds = array<i64: 10>, scalar_prefetch = 0 : i64, scratch_operands = 0 : i64, tpu.core_type = #tpu.core_type<tc>, window_params = [{transform_indices = @transform_0, window_bounds = array<i64: 2, 1000, 64>}, {transform_indices = @transform_1, window_bounds = array<i64: 2, 1000, 64>}, {transform_indices = @transform_2, window_bounds = array<i64: 1, 1, 1000>}, {pipeline_mode = #tpu.pipeline_mode<synchronous>, transform_indices = @transform_3, window_bounds = array<i64: 128, 128>}, {pipeline_mode = #tpu.pipeline_mode<synchronous>, transform_indices = @transform_4, window_bounds = array<i64: 1, 128>}, {pipeline_mode = #tpu.pipeline_mode<synchronous>, transform_indices = @transform_5, window_bounds = array<i64: 128, 128>}, {pipeline_mode = #tpu.pipeline_mode<synchronous>, transform_indices = @transform_6, window_bounds = array<i64: 1, 128>}, {pipeline_mode = #tpu.pipeline_mode<synchronous>, transform_indices = @transform_7, window_bounds = array<i64: 1, 128>}, {pipeline_mode = #tpu.pipeline_mode<synchronous>, transform_indices = @transform_8, window_bounds = array<i64: 1, 128>}, {pipeline_mode = #tpu.pipeline_mode<synchronous>, transform_indices = @transform_9, window_bounds = array<i64: 64, 128>}, {pipeline_mode = #tpu.pipeline_mode<synchronous>, transform_indices = @transform_10, window_bounds = array<i64: 64, 128>}]} {
    %get3A = arith.constant 0 : index
    %get3A_0 = arith.constant 0 : index
    %get3A_1 = arith.constant 0 : index
    %get3A_2 = vector.load %arg1[%get3A, %get3A_0, %get3A_1] : memref<2x1000x64xf32, #tpu.memory_space<vmem>>, vector<1x1000x64xf32>
    %get3A_3 = vector.shape_cast %get3A_2 : vector<1x1000x64xf32> to vector<1000x64xf32>
    %get3A_4 = arith.constant 1 : index
    %get3A_5 = arith.constant 0 : index
    %get3A_6 = arith.constant 0 : index
    %get3A_7 = vector.load %arg1[%get3A_4, %get3A_5, %get3A_6] : memref<2x1000x64xf32, #tpu.memory_space<vmem>>, vector<1x1000x64xf32>
    %get3A_8 = vector.shape_cast %get3A_7 : vector<1x1000x64xf32> to vector<1000x64xf32>
    %concatenate3A = tpu.concatenate %get3A_3, %get3A_8 in 1 : vector<1000x64xf32>, vector<1000x64xf32> -> vector<1000x128xf32>
    %get3A_9 = arith.constant 0 : index
    %get3A_10 = arith.constant 0 : index
    %get3A_11 = arith.constant 0 : index
    %get3A_12 = vector.load %arg2[%get3A_9, %get3A_10, %get3A_11] : memref<2x1000x64xf32, #tpu.memory_space<vmem>>, vector<1x1000x64xf32>
    %get3A_13 = vector.shape_cast %get3A_12 : vector<1x1000x64xf32> to vector<1000x64xf32>
    %get3A_14 = arith.constant 1 : index
    %get3A_15 = arith.constant 0 : index
    %get3A_16 = arith.constant 0 : index
    %get3A_17 = vector.load %arg2[%get3A_14, %get3A_15, %get3A_16] : memref<2x1000x64xf32, #tpu.memory_space<vmem>>, vector<1x1000x64xf32>
    %get3A_18 = vector.shape_cast %get3A_17 : vector<1x1000x64xf32> to vector<1000x64xf32>
    %concatenate3A_19 = tpu.concatenate %get3A_13, %get3A_18 in 1 : vector<1000x64xf32>, vector<1000x64xf32> -> vector<1000x128xf32>
    %add3A = arith.addf %concatenate3A, %concatenate3A_19 : vector<1000x128xf32>
    %get3A_20 = arith.constant 0 : index
    %get3A_21 = arith.constant 0 : index
    %get3A_22 = vector.load %arg4[%get3A_20, %get3A_21] : memref<128x128xf32, #tpu.memory_space<vmem>>, vector<128x128xf32>
    %dot_general3A = arith.constant dense<0.000000e+00> : vector<1000x128xf32>
    %dot_general3A_23 = tpu.matmul %add3A, %get3A_22, %dot_general3A {dimension_numbers = #tpu.dot_dimension_numbers<[1], [0], [0], [1], [0, 0, 1, 1], [], []>, transpose_lhs_hint = false} : vector<1000x128xf32>, vector<128x128xf32>, vector<1000x128xf32> -> vector<1000x128xf32>
    %get3A_24 = arith.constant 0 : index
    %get3A_25 = arith.constant 0 : index
    %get3A_26 = vector.load %arg5[%get3A_24, %get3A_25] : memref<1x128xf32, #tpu.memory_space<vmem>>, vector<1x128xf32>
    %add3A_27 = vector.broadcast %get3A_26 : vector<1x128xf32> to vector<1000x128xf32>
    %add3A_28 = arith.addf %dot_general3A_23, %add3A_27 : vector<1000x128xf32>
    %max3A = arith.constant 0.000000e+00 : f32
    %max3A_29 = vector.broadcast %max3A : f32 to vector<1000x128xf32>
    %max3A_30 = arith.maximumf %add3A_28, %max3A_29 : vector<1000x128xf32>
    %get3A_31 = arith.constant 0 : index
    %get3A_32 = arith.constant 0 : index
    %get3A_33 = vector.load %arg6[%get3A_31, %get3A_32] : memref<128x128xf32, #tpu.memory_space<vmem>>, vector<128x128xf32>
    %dot_general3A_34 = arith.constant dense<0.000000e+00> : vector<1000x128xf32>
    %dot_general3A_35 = tpu.matmul %max3A_30, %get3A_33, %dot_general3A_34 {dimension_numbers = #tpu.dot_dimension_numbers<[1], [0], [0], [1], [0, 0, 1, 1], [], []>, transpose_lhs_hint = false} : vector<1000x128xf32>, vector<128x128xf32>, vector<1000x128xf32> -> vector<1000x128xf32>
    %get3A_36 = arith.constant 0 : index
    %get3A_37 = arith.constant 0 : index
    %get3A_38 = vector.load %arg7[%get3A_36, %get3A_37] : memref<1x128xf32, #tpu.memory_space<vmem>>, vector<1x128xf32>
    %add3A_39 = vector.broadcast %get3A_38 : vector<1x128xf32> to vector<1000x128xf32>
    %add3A_40 = arith.addf %dot_general3A_35, %add3A_39 : vector<1000x128xf32>
    %max3A_41 = arith.constant 0.000000e+00 : f32
    %max3A_42 = vector.broadcast %max3A_41 : f32 to vector<1000x128xf32>
    %max3A_43 = arith.maximumf %add3A_40, %max3A_42 : vector<1000x128xf32>
    %eq3A = arith.constant 0 : i32
    %eq3A_44 = arith.cmpi eq, %arg0, %eq3A : i32
    %convert_element_type3A = arith.extui %eq3A_44 : i1 to i32
    %cond3A = arith.constant 0 : i32
    %cond3A_45 = arith.cmpi ne, %convert_element_type3A, %cond3A : i32
    scf.if %cond3A_45 {
      %broadcast_in_dim3A_92 = arith.constant 0.000000e+00 : f32
      %broadcast_in_dim3A_93 = vector.broadcast %broadcast_in_dim3A_92 : f32 to vector<1x128xf32>
      %swap3A_94 = arith.constant 0 : index
      %swap3A_95 = arith.constant 0 : index
      %swap3A_96 = vector.load %arg8[%swap3A_94, %swap3A_95] : memref<1x128xf32, #tpu.memory_space<vmem>>, vector<1x128xf32>
      tpu.vector_store %arg8[%swap3A_94, %swap3A_95], %broadcast_in_dim3A_93 {strides = array<i32>} : memref<1x128xf32, #tpu.memory_space<vmem>>, vector<1x128xf32>,
      %broadcast_in_dim3A_97 = arith.constant 0.000000e+00 : f32
      %broadcast_in_dim3A_98 = vector.broadcast %broadcast_in_dim3A_97 : f32 to vector<1x128xf32>
      %swap3A_99 = arith.constant 0 : index
      %swap3A_100 = arith.constant 0 : index
      %swap3A_101 = vector.load %arg9[%swap3A_99, %swap3A_100] : memref<1x128xf32, #tpu.memory_space<vmem>>, vector<1x128xf32>
      tpu.vector_store %arg9[%swap3A_99, %swap3A_100], %broadcast_in_dim3A_98 {strides = array<i32>} : memref<1x128xf32, #tpu.memory_space<vmem>>, vector<1x128xf32>,
      %broadcast_in_dim3A_102 = arith.constant 0.000000e+00 : f32
      %broadcast_in_dim3A_103 = vector.broadcast %broadcast_in_dim3A_102 : f32 to vector<64x128xf32>
      %swap3A_104 = arith.constant 0 : index
      %swap3A_105 = arith.constant 0 : index
      %swap3A_106 = vector.load %arg10[%swap3A_104, %swap3A_105] : memref<64x128xf32, #tpu.memory_space<vmem>>, vector<64x128xf32>
      tpu.vector_store %arg10[%swap3A_104, %swap3A_105], %broadcast_in_dim3A_103 {strides = array<i32>} : memref<64x128xf32, #tpu.memory_space<vmem>>, vector<64x128xf32>,
      %broadcast_in_dim3A_107 = arith.constant 0.000000e+00 : f32
      %broadcast_in_dim3A_108 = vector.broadcast %broadcast_in_dim3A_107 : f32 to vector<64x128xf32>
      %swap3A_109 = arith.constant 0 : index
      %swap3A_110 = arith.constant 0 : index
      %swap3A_111 = vector.load %arg11[%swap3A_109, %swap3A_110] : memref<64x128xf32, #tpu.memory_space<vmem>>, vector<64x128xf32>
      tpu.vector_store %arg11[%swap3A_109, %swap3A_110], %broadcast_in_dim3A_108 {strides = array<i32>} : memref<64x128xf32, #tpu.memory_space<vmem>>, vector<64x128xf32>,
    } else {
    }
    %get3A_46 = arith.constant 0 : index
    %get3A_47 = arith.constant 0 : index
    %get3A_48 = vector.load %arg8[%get3A_46, %get3A_47] : memref<1x128xf32, #tpu.memory_space<vmem>>, vector<1x128xf32>
    %reduce_sum3A = arith.constant dense<0.000000e+00> : vector<128xf32>
    %reduce_sum3A_49 = vector.multi_reduction <add>, %max3A_43, %reduce_sum3A [0] : vector<1000x128xf32> to vector<128xf32>
    %broadcast_in_dim3A = vector.shape_cast %reduce_sum3A_49 : vector<128xf32> to vector<1x128xf32>
    %add3A_50 = arith.addf %get3A_48, %broadcast_in_dim3A : vector<1x128xf32>
    %swap3A = arith.constant 0 : index
    %swap3A_51 = arith.constant 0 : index
    %swap3A_52 = vector.load %arg8[%swap3A, %swap3A_51] : memref<1x128xf32, #tpu.memory_space<vmem>>, vector<1x128xf32>
    tpu.vector_store %arg8[%swap3A, %swap3A_51], %add3A_50 {strides = array<i32>} : memref<1x128xf32, #tpu.memory_space<vmem>>, vector<1x128xf32>,
    %get3A_53 = arith.constant 0 : index
    %get3A_54 = arith.constant 0 : index
    %get3A_55 = vector.load %arg9[%get3A_53, %get3A_54] : memref<1x128xf32, #tpu.memory_space<vmem>>, vector<1x128xf32>
    %mul3A = arith.mulf %max3A_43, %max3A_43 : vector<1000x128xf32>
    %reduce_sum3A_56 = arith.constant dense<0.000000e+00> : vector<128xf32>
    %reduce_sum3A_57 = vector.multi_reduction <add>, %mul3A, %reduce_sum3A_56 [0] : vector<1000x128xf32> to vector<128xf32>
    %broadcast_in_dim3A_58 = vector.shape_cast %reduce_sum3A_57 : vector<128xf32> to vector<1x128xf32>
    %add3A_59 = arith.addf %get3A_55, %broadcast_in_dim3A_58 : vector<1x128xf32>
    %swap3A_60 = arith.constant 0 : index
    %swap3A_61 = arith.constant 0 : index
    %swap3A_62 = vector.load %arg9[%swap3A_60, %swap3A_61] : memref<1x128xf32, #tpu.memory_space<vmem>>, vector<1x128xf32>
    tpu.vector_store %arg9[%swap3A_60, %swap3A_61], %add3A_59 {strides = array<i32>} : memref<1x128xf32, #tpu.memory_space<vmem>>, vector<1x128xf32>,
    %get3A_63 = arith.constant 0 : index
    %get3A_64 = arith.constant 0 : index
    %get3A_65 = arith.constant 0 : index
    %get3A_66 = vector.load %arg3[%get3A_63, %get3A_64, %get3A_65] : memref<1x1x1000xi32, #tpu.memory_space<vmem>>, vector<1x1x1000xi32>
    %get3A_67 = vector.shape_cast %get3A_66 : vector<1x1x1000xi32> to vector<1x1000xi32>
    %iota3A = tpu.iota {dimensions = array<i32: 0>} : vector<64x1000xi32>
    %eq3A_68 = vector.broadcast %get3A_67 : vector<1x1000xi32> to vector<64x1000xi32>
    %eq3A_69 = arith.cmpi eq, %iota3A, %eq3A_68 : vector<64x1000xi32>
    %convert_element_type3A_70 = arith.extui %eq3A_69 : vector<64x1000xi1> to vector<64x1000xi32>
    %convert_element_type3A_71 = arith.sitofp %convert_element_type3A_70 : vector<64x1000xi32> to vector<64x1000xf32>
    %get3A_72 = arith.constant 0 : index
    %get3A_73 = arith.constant 0 : index
    %get3A_74 = vector.load %arg10[%get3A_72, %get3A_73] : memref<64x128xf32, #tpu.memory_space<vmem>>, vector<64x128xf32>
    %dot_general3A_75 = arith.constant dense<0.000000e+00> : vector<64x128xf32>
    %dot_general3A_76 = tpu.matmul %convert_element_type3A_71, %max3A_43, %dot_general3A_75 {dimension_numbers = #tpu.dot_dimension_numbers<[1], [0], [0], [1], [0, 0, 1, 1], [], []>, transpose_lhs_hint = false} : vector<64x1000xf32>, vector<1000x128xf32>, vector<64x128xf32> -> vector<64x128xf32>
    %add3A_77 = arith.addf %get3A_74, %dot_general3A_76 : vector<64x128xf32>
    %swap3A_78 = arith.constant 0 : index
    %swap3A_79 = arith.constant 0 : index
    %swap3A_80 = vector.load %arg10[%swap3A_78, %swap3A_79] : memref<64x128xf32, #tpu.memory_space<vmem>>, vector<64x128xf32>
    tpu.vector_store %arg10[%swap3A_78, %swap3A_79], %add3A_77 {strides = array<i32>} : memref<64x128xf32, #tpu.memory_space<vmem>>, vector<64x128xf32>,
    %get3A_81 = arith.constant 0 : index
    %get3A_82 = arith.constant 0 : index
    %get3A_83 = vector.load %arg11[%get3A_81, %get3A_82] : memref<64x128xf32, #tpu.memory_space<vmem>>, vector<64x128xf32>
    %reduce_sum3A_84 = arith.constant dense<0.000000e+00> : vector<64xf32>
    %reduce_sum3A_85 = vector.multi_reduction <add>, %convert_element_type3A_71, %reduce_sum3A_84 [1] : vector<64x1000xf32> to vector<64xf32>
    %broadcast_in_dim3A_86 = vector.shape_cast %reduce_sum3A_85 : vector<64xf32> to vector<64x1xf32>
    %add3A_87 = vector.broadcast %broadcast_in_dim3A_86 : vector<64x1xf32> to vector<64x128xf32>
    %add3A_88 = arith.addf %get3A_83, %add3A_87 : vector<64x128xf32>
    %swap3A_89 = arith.constant 0 : index
    %swap3A_90 = arith.constant 0 : index
    %swap3A_91 = vector.load %arg11[%swap3A_89, %swap3A_90] : memref<64x128xf32, #tpu.memory_space<vmem>>, vector<64x128xf32>
    tpu.vector_store %arg11[%swap3A_89, %swap3A_90], %add3A_88 {strides = array<i32>} : memref<64x128xf32, #tpu.memory_space<vmem>>, vector<64x128xf32>,
    return
  }
  func.func @transform_0(%arg0: i32) -> (i32, i32, i32) {
    %c0_i32 = arith.constant 0 : i32
    %c0_i32_0 = arith.constant 0 : i32
    %c0_i32_1 = arith.constant 0 : i32
    return %c0_i32, %arg0, %c0_i32_0 : i32, i32, i32
  }
  func.func @transform_1(%arg0: i32) -> (i32, i32, i32) {
    %c0_i32 = arith.constant 0 : i32
    %c0_i32_0 = arith.constant 0 : i32
    %c0_i32_1 = arith.constant 0 : i32
    return %c0_i32, %arg0, %c0_i32_0 : i32, i32, i32
  }
  func.func @transform_2(%arg0: i32) -> (i32, i32, i32) {
    %c0_i32 = arith.constant 0 : i32
    %c0_i32_0 = arith.constant 0 : i32
    %c0_i32_1 = arith.constant 0 : i32
    return %arg0, %c0_i32, %c0_i32_0 : i32, i32, i32
  }
  func.func @transform_3(%arg0: i32) -> (i32, i32) {
    %c0_i32 = arith.constant 0 : i32
    %c0_i32_0 = arith.constant 0 : i32
    %c0_i32_1 = arith.constant 0 : i32
    return %c0_i32, %c0_i32_0 : i32, i32
  }
  func.func @transform_4(%arg0: i32) -> (i32, i32) {
    %c0_i32 = arith.constant 0 : i32
    %c0_i32_0 = arith.constant 0 : i32
    %c0_i32_1 = arith.constant 0 : i32
    return %c0_i32, %c0_i32_0 : i32, i32
  }
  func.func @transform_5(%arg0: i32) -> (i32, i32) {
    %c0_i32 = arith.constant 0 : i32
    %c0_i32_0 = arith.constant 0 : i32
    %c0_i32_1 = arith.constant 0 : i32
    return %c0_i32, %c0_i32_0 : i32, i32
  }
  func.func @transform_6(%arg0: i32) -> (i32, i32) {
    %c0_i32 = arith.constant 0 : i32
    %c0_i32_0 = arith.constant 0 : i32
    %c0_i32_1 = arith.constant 0 : i32
    return %c0_i32, %c0_i32_0 : i32, i32
  }
  func.func @transform_7(%arg0: i32) -> (i32, i32) {
    %c0_i32 = arith.constant 0 : i32
    %c0_i32_0 = arith.constant 0 : i32
    %c0_i32_1 = arith.constant 0 : i32
    return %c0_i32, %c0_i32_0 : i32, i32
  }
  func.func @transform_8(%arg0: i32) -> (i32, i32) {
    %c0_i32 = arith.constant 0 : i32
    %c0_i32_0 = arith.constant 0 : i32
    %c0_i32_1 = arith.constant 0 : i32
    return %c0_i32, %c0_i32_0 : i32, i32
  }
  func.func @transform_9(%arg0: i32) -> (i32, i32) {
    %c0_i32 = arith.constant 0 : i32
    %c0_i32_0 = arith.constant 0 : i32
    %c0_i32_1 = arith.constant 0 : i32
    return %c0_i32, %c0_i32_0 : i32, i32
  }
  func.func @transform_10(%arg0: i32) -> (i32, i32) {
    %c0_i32 = arith.constant 0 : i32
    %c0_i32_0 = arith.constant 0 : i32
    %c0_i32_1 = arith.constant 0 : i32
    return %c0_i32, %c0_i32_0 : i32, i32
  }
}

module attributes {stable_mosaic.version = 14 : i64} {
  func.func @_head_body(%arg0: memref<64x128xf32, #tpu.memory_space<vmem>>, %arg1: memref<64x128xf32, #tpu.memory_space<vmem>>, %arg2: memref<1x128xf32, #tpu.memory_space<vmem>>, %arg3: memref<1x128xf32, #tpu.memory_space<vmem>>, %arg4: memref<1x128xf32, #tpu.memory_space<vmem>>, %arg5: memref<1x128xf32, #tpu.memory_space<vmem>>, %arg6: memref<128x128xf32, #tpu.memory_space<vmem>>, %arg7: memref<1x128xf32, #tpu.memory_space<vmem>>, %arg8: memref<1x128xf32, #tpu.memory_space<vmem>>, %arg9: memref<1x128xf32, #tpu.memory_space<vmem>>, %arg10: memref<128x64xf32, #tpu.memory_space<vmem>>, %arg11: memref<1x64xf32, #tpu.memory_space<vmem>>, %arg12: memref<64x64xf32, #tpu.memory_space<vmem>>, %arg13: memref<64x64xf32, #tpu.memory_space<vmem>>, %arg14: memref<64x64xf32, #tpu.memory_space<vmem>>) attributes {dimension_semantics = [], scalar_prefetch = 0 : i64, scratch_operands = 0 : i64, tpu.core_type = #tpu.core_type<tc>} {
    %get3A = arith.constant 0 : index
    %get3A_0 = arith.constant 0 : index
    %get3A_1 = vector.load %arg2[%get3A, %get3A_0] : memref<1x128xf32, #tpu.memory_space<vmem>>, vector<1x128xf32>
    %mul3A = arith.constant 9.99999974E-5 : f32
    %mul3A_2 = vector.broadcast %mul3A : f32 to vector<1x128xf32>
    %mul3A_3 = arith.mulf %get3A_1, %mul3A_2 : vector<1x128xf32>
    %get3A_4 = arith.constant 0 : index
    %get3A_5 = arith.constant 0 : index
    %get3A_6 = vector.load %arg3[%get3A_4, %get3A_5] : memref<1x128xf32, #tpu.memory_space<vmem>>, vector<1x128xf32>
    %mul3A_7 = arith.constant 9.99999974E-5 : f32
    %mul3A_8 = vector.broadcast %mul3A_7 : f32 to vector<1x128xf32>
    %mul3A_9 = arith.mulf %get3A_6, %mul3A_8 : vector<1x128xf32>
    %mul3A_10 = arith.mulf %mul3A_3, %mul3A_3 : vector<1x128xf32>
    %sub3A = arith.subf %mul3A_9, %mul3A_10 : vector<1x128xf32>
    %get3A_11 = arith.constant 0 : index
    %get3A_12 = arith.constant 0 : index
    %get3A_13 = vector.load %arg4[%get3A_11, %get3A_12] : memref<1x128xf32, #tpu.memory_space<vmem>>, vector<1x128xf32>
    %add3A = arith.constant 9.99999974E-6 : f32
    %add3A_14 = vector.broadcast %add3A : f32 to vector<1x128xf32>
    %add3A_15 = arith.addf %sub3A, %add3A_14 : vector<1x128xf32>
    %rsqrt3A = math.rsqrt %add3A_15 : vector<1x128xf32>
    %mul3A_16 = arith.mulf %get3A_13, %rsqrt3A : vector<1x128xf32>
    %get3A_17 = arith.constant 0 : index
    %get3A_18 = arith.constant 0 : index
    %get3A_19 = vector.load %arg5[%get3A_17, %get3A_18] : memref<1x128xf32, #tpu.memory_space<vmem>>, vector<1x128xf32>
    %mul3A_20 = arith.mulf %mul3A_3, %mul3A_16 : vector<1x128xf32>
    %sub3A_21 = arith.subf %get3A_19, %mul3A_20 : vector<1x128xf32>
    %get3A_22 = arith.constant 0 : index
    %get3A_23 = arith.constant 0 : index
    %get3A_24 = vector.load %arg1[%get3A_22, %get3A_23] : memref<64x128xf32, #tpu.memory_space<vmem>>, vector<64x1xf32>
    %get3A_25 = arith.constant 0 : index
    %get3A_26 = arith.constant 0 : index
    %get3A_27 = vector.load %arg0[%get3A_25, %get3A_26] : memref<64x128xf32, #tpu.memory_space<vmem>>, vector<64x128xf32>
    %mul3A_28 = vector.broadcast %mul3A_16 : vector<1x128xf32> to vector<64x128xf32>
    %mul3A_29 = arith.mulf %get3A_27, %mul3A_28 : vector<64x128xf32>
    %mul3A_30 = vector.broadcast %get3A_24 : vector<64x1xf32> to vector<64x128xf32>
    %mul3A_31 = vector.broadcast %sub3A_21 : vector<1x128xf32> to vector<64x128xf32>
    %mul3A_32 = arith.mulf %mul3A_30, %mul3A_31 : vector<64x128xf32>
    %add3A_33 = arith.addf %mul3A_29, %mul3A_32 : vector<64x128xf32>
    %max3A = arith.constant 1.000000e+00 : f32
    %max3A_34 = vector.broadcast %max3A : f32 to vector<64x1xf32>
    %max3A_35 = arith.maximumf %get3A_24, %max3A_34 : vector<64x1xf32>
    %div3A = vector.broadcast %max3A_35 : vector<64x1xf32> to vector<64x128xf32>
    %div3A_36 = arith.divf %add3A_33, %div3A : vector<64x128xf32>
    %get3A_37 = arith.constant 0 : index
    %get3A_38 = arith.constant 0 : index
    %get3A_39 = vector.load %arg6[%get3A_37, %get3A_38] : memref<128x128xf32, #tpu.memory_space<vmem>>, vector<128x128xf32>
    %dot_general3A = arith.constant dense<0.000000e+00> : vector<64x128xf32>
    %dot_general3A_40 = tpu.matmul %div3A_36, %get3A_39, %dot_general3A {dimension_numbers = #tpu.dot_dimension_numbers<[1], [0], [0], [1], [0, 0, 1, 1], [], []>, transpose_lhs_hint = false} : vector<64x128xf32>, vector<128x128xf32>, vector<64x128xf32> -> vector<64x128xf32>
    %get3A_41 = arith.constant 0 : index
    %get3A_42 = arith.constant 0 : index
    %get3A_43 = vector.load %arg7[%get3A_41, %get3A_42] : memref<1x128xf32, #tpu.memory_space<vmem>>, vector<1x128xf32>
    %add3A_44 = vector.broadcast %get3A_43 : vector<1x128xf32> to vector<64x128xf32>
    %add3A_45 = arith.addf %dot_general3A_40, %add3A_44 : vector<64x128xf32>
    %reduce_sum3A = arith.constant dense<0.000000e+00> : vector<128xf32>
    %reduce_sum3A_46 = vector.multi_reduction <add>, %add3A_45, %reduce_sum3A [0] : vector<64x128xf32> to vector<128xf32>
    %broadcast_in_dim3A = vector.shape_cast %reduce_sum3A_46 : vector<128xf32> to vector<1x128xf32>
    %div3A_47 = arith.constant 6.400000e+01 : f32
    %div3A_48 = vector.broadcast %div3A_47 : f32 to vector<1x128xf32>
    %div3A_49 = arith.divf %broadcast_in_dim3A, %div3A_48 : vector<1x128xf32>
    %sub3A_50 = vector.broadcast %div3A_49 : vector<1x128xf32> to vector<64x128xf32>
    %sub3A_51 = arith.subf %add3A_45, %sub3A_50 : vector<64x128xf32>
    %mul3A_52 = arith.mulf %sub3A_51, %sub3A_51 : vector<64x128xf32>
    %reduce_sum3A_53 = arith.constant dense<0.000000e+00> : vector<128xf32>
    %reduce_sum3A_54 = vector.multi_reduction <add>, %mul3A_52, %reduce_sum3A_53 [0] : vector<64x128xf32> to vector<128xf32>
    %broadcast_in_dim3A_55 = vector.shape_cast %reduce_sum3A_54 : vector<128xf32> to vector<1x128xf32>
    %div3A_56 = arith.constant 6.400000e+01 : f32
    %div3A_57 = vector.broadcast %div3A_56 : f32 to vector<1x128xf32>
    %div3A_58 = arith.divf %broadcast_in_dim3A_55, %div3A_57 : vector<1x128xf32>
    %get3A_59 = arith.constant 0 : index
    %get3A_60 = arith.constant 0 : index
    %get3A_61 = vector.load %arg8[%get3A_59, %get3A_60] : memref<1x128xf32, #tpu.memory_space<vmem>>, vector<1x128xf32>
    %mul3A_62 = vector.broadcast %get3A_61 : vector<1x128xf32> to vector<64x128xf32>
    %mul3A_63 = arith.mulf %mul3A_62, %sub3A_51 : vector<64x128xf32>
    %add3A_64 = arith.constant 9.99999974E-6 : f32
    %add3A_65 = vector.broadcast %add3A_64 : f32 to vector<1x128xf32>
    %add3A_66 = arith.addf %div3A_58, %add3A_65 : vector<1x128xf32>
    %rsqrt3A_67 = math.rsqrt %add3A_66 : vector<1x128xf32>
    %mul3A_68 = vector.broadcast %rsqrt3A_67 : vector<1x128xf32> to vector<64x128xf32>
    %mul3A_69 = arith.mulf %mul3A_63, %mul3A_68 : vector<64x128xf32>
    %get3A_70 = arith.constant 0 : index
    %get3A_71 = arith.constant 0 : index
    %get3A_72 = vector.load %arg9[%get3A_70, %get3A_71] : memref<1x128xf32, #tpu.memory_space<vmem>>, vector<1x128xf32>
    %add3A_73 = vector.broadcast %get3A_72 : vector<1x128xf32> to vector<64x128xf32>
    %add3A_74 = arith.addf %mul3A_69, %add3A_73 : vector<64x128xf32>
    %max3A_75 = arith.constant 0.000000e+00 : f32
    %max3A_76 = vector.broadcast %max3A_75 : f32 to vector<64x128xf32>
    %max3A_77 = arith.maximumf %add3A_74, %max3A_76 : vector<64x128xf32>
    %get3A_78 = arith.constant 0 : index
    %get3A_79 = arith.constant 0 : index
    %get3A_80 = vector.load %arg10[%get3A_78, %get3A_79] : memref<128x64xf32, #tpu.memory_space<vmem>>, vector<128x64xf32>
    %dot_general3A_81 = arith.constant dense<0.000000e+00> : vector<64x64xf32>
    %dot_general3A_82 = tpu.matmul %max3A_77, %get3A_80, %dot_general3A_81 {dimension_numbers = #tpu.dot_dimension_numbers<[1], [0], [0], [1], [0, 0, 1, 1], [], []>, transpose_lhs_hint = false} : vector<64x128xf32>, vector<128x64xf32>, vector<64x64xf32> -> vector<64x64xf32>
    %get3A_83 = arith.constant 0 : index
    %get3A_84 = arith.constant 0 : index
    %get3A_85 = vector.load %arg11[%get3A_83, %get3A_84] : memref<1x64xf32, #tpu.memory_space<vmem>>, vector<1x64xf32>
    %add3A_86 = vector.broadcast %get3A_85 : vector<1x64xf32> to vector<64x64xf32>
    %add3A_87 = arith.addf %dot_general3A_82, %add3A_86 : vector<64x64xf32>
    %reduce_max3A = arith.constant dense<0xFF800000> : vector<64xf32>
    %reduce_max3A_88 = vector.multi_reduction <maximumf>, %add3A_87, %reduce_max3A [1] : vector<64x64xf32> to vector<64xf32>
    %broadcast_in_dim3A_89 = vector.shape_cast %reduce_max3A_88 : vector<64xf32> to vector<64x1xf32>
    %sub3A_90 = vector.broadcast %broadcast_in_dim3A_89 : vector<64x1xf32> to vector<64x64xf32>
    %sub3A_91 = arith.subf %add3A_87, %sub3A_90 : vector<64x64xf32>
    %exp3A = math.exp %sub3A_91 : vector<64x64xf32>
    %reduce_sum3A_92 = arith.constant dense<0.000000e+00> : vector<64xf32>
    %reduce_sum3A_93 = vector.multi_reduction <add>, %exp3A, %reduce_sum3A_92 [1] : vector<64x64xf32> to vector<64xf32>
    %broadcast_in_dim3A_94 = vector.shape_cast %reduce_sum3A_93 : vector<64xf32> to vector<64x1xf32>
    %sub3A_95 = vector.broadcast %broadcast_in_dim3A_89 : vector<64x1xf32> to vector<64x64xf32>
    %sub3A_96 = arith.subf %add3A_87, %sub3A_95 : vector<64x64xf32>
    %log3A = math.log %broadcast_in_dim3A_94 : vector<64x1xf32>
    %sub3A_97 = vector.broadcast %log3A : vector<64x1xf32> to vector<64x64xf32>
    %sub3A_98 = arith.subf %sub3A_96, %sub3A_97 : vector<64x64xf32>
    %swap3A = arith.constant 0 : index
    %swap3A_99 = arith.constant 0 : index
    %swap3A_100 = vector.load %arg14[%swap3A, %swap3A_99] : memref<64x64xf32, #tpu.memory_space<vmem>>, vector<64x64xf32>
    tpu.vector_store %arg14[%swap3A, %swap3A_99], %add3A_87 {strides = array<i32>} : memref<64x64xf32, #tpu.memory_space<vmem>>, vector<64x64xf32>,
    %swap3A_101 = arith.constant 0 : index
    %swap3A_102 = arith.constant 0 : index
    %swap3A_103 = vector.load %arg12[%swap3A_101, %swap3A_102] : memref<64x64xf32, #tpu.memory_space<vmem>>, vector<64x64xf32>
    tpu.vector_store %arg12[%swap3A_101, %swap3A_102], %sub3A_98 {strides = array<i32>} : memref<64x64xf32, #tpu.memory_space<vmem>>, vector<64x64xf32>,
    %div3A_104 = vector.broadcast %broadcast_in_dim3A_94 : vector<64x1xf32> to vector<64x64xf32>
    %div3A_105 = arith.divf %exp3A, %div3A_104 : vector<64x64xf32>
    %swap3A_106 = arith.constant 0 : index
    %swap3A_107 = arith.constant 0 : index
    %swap3A_108 = vector.load %arg13[%swap3A_106, %swap3A_107] : memref<64x64xf32, #tpu.memory_space<vmem>>, vector<64x64xf32>
    tpu.vector_store %arg13[%swap3A_106, %swap3A_107], %div3A_105 {strides = array<i32>} : memref<64x64xf32, #tpu.memory_space<vmem>>, vector<64x64xf32>,
    return
  }
}

</mosaic_0001>

<sc_bundles>
// kernel: kernel.11.cloned.1.call-start
scs
__scs_entry_jumppad:
0x0: {  	(pc) =	sbr.rel $0x88, $3  }
0x1: {  	(tag) =	ssettag $0x0;
	lr =	simm.s32 $0x1  }
0x2: {  	[smem:$0x3F8C] =	sst lr;
	_ =	strace $0xD0000000  }
0x3: {  	_ = 	snop  }
0x4: {  	_ = 	snop  }
0x5: {  	_ = 	snop  }
0x6: {  	_ = 	snop  }
0x7: {  	_ = 	snop  }
__scs_overlays_trampoline_lowered:
0x8: {  	[smem:$0x3F9B] =	sst s0  }
0x9: {  	[smem:$0x3F9C] =	sst s1  }
0xa: {  	[smem:$0x3F9D] =	sst s2  }
0xb: {  	[smem:$0x3F9E] =	sst s3  }
0xc: {  	[smem:$0x3F9F] =	sst s4  }
0xd: {  	[smem:$0x3FA0] =	sst s5  }
0xe: {  	[smem:$0x3FA1] =	sst s6  }
0xf: {  	[smem:$0x3FA2] =	sst s7  }
0x10: {  	[smem:$0x3FA3] =	sst s8  }
0x11: {  	[smem:$0x3FA4] =	sst s9;
	s0 =	simm.s32 @!p0 $0x0  }
0x12: {  	s1 =	sld [smem:$0x3F8A];
	s0 =	simm.s32 @p0 $0x1  }
0x13: {  	[smem:$0x3FA5] =	sst s0;
	s0 =	simm.s32 @!p1 $0x0  }
0x14: {  	s2 =	sld [smem:$0x3F89];
	s0 =	simm.s32 @p1 $0x1  }
0x15: {  	[smem:$0x3FA6] =	sst s0;
	s0 =	simm.s32 @!p2 $0x0  }
0x16: {  	s3 =	sld [smem:$0x3FDB];
	s0 =	simm.s32 @p2 $0x1  }
0x17: {  	s4 =	simm.s32 $0x1BF5;
	[smem:$0x3FA8] =	sst s0  }
0x18: {  	s0 =	sld [smem:$0x3F8B];
	_ =	swait.ge [sflag:s4], $0x0  }
0x19: {  	s7 =	sld [smem:$0x3F8C]  }
0x1a: {  	s8 =	sadd.s32 $0xFFFFE003, lr  }
0x1b: {  	s9 =	sadd.s32 $0xFFFFFEF7, lr;
	s5 =	simm.s32 $0xFFFFFFFF;
	p2 =	slt.u32 s8, $0xFFFFF086  }
0x1c: {  	p1 =	slt.u32 s9, $0xF7A;
	s5 =	simm.s32 @!p2 $0x0  }
0x1d: {  	s5 =	simm.s32 @p1 $0x1;
	p0 =	seq.s32 s7, s2  }
0x1e: {  	s7 =	smul.u32 @!p0 $0xF7A, s2;
	p2 =	seq.s32 @!p0 s5, $0x0  }
0x1f: {  	s9 =	smul.u32 $0xF7A, s1;
	s8 =	simm.s32 @!p0 $0x1BF5;
	p2 =	por !p2, p0  }
0x20: {  	[sflag:s8] =	ssyncset.s32 @!p0 $0xFFFFF086;
	s6 =	sadd.s32 @!p0 s3, s7;
	s7 =	simm.s32 @!p0 $0x108  }
0x21: {  	s3 =	sadd.s32 s3, s9;
	s6 =	sadd.s32 @!p0 $0x88, s6;
	s7 =	simm.s32 @p2 $0x1082  }
0x22: {  	[simem:s7], [sflag:s8] =	dma.local @!p0 [hbm:s6], $0xF7A  }
0x23: {  	s9 =	sor.u32 $0xD0000000, s2;
	s6 =	simm.s32 $0x108;
	_ =	swait.ge @!p0 [sflag:s8], $0x0  }
0x24: {  	s3 =	sadd.s32 $0x88, s3;
	s6 =	simm.s32 @!p1 $0x1082;
	[sflag:s4] =	ssyncset.s32 $0xFFFFF086  }
0x25: {  	[simem:s6], [sflag:s4] =	dma.local [hbm:s3], $0xF7A  }
0x26: {  	[smem:$0x3F8C] =	sst s1;
	(tag) =	ssettag s2;
	_ =	strace s9  }
0x27: {  	s1 =	sld [smem:$0x3F9C]  }
0x28: {  	s2 =	sld [smem:$0x3F9D]  }
0x29: {  	s4 =	sld [smem:$0x3F9F]  }
0x2a: {  	p0 =	seq.s32 s5, $0x0;
	s5 =	sld [smem:$0x3FA0]  }
0x2b: {  	s6 =	sld [smem:$0x3FA1]  }
0x2c: {  	s7 =	sld [smem:$0x3FA2]  }
0x2d: {  	s3 =	simm.s32 $0x108;
	s8 =	sld [smem:$0x3FA3]  }
0x2e: {  	s3 =	simm.s32 @!p0 $0x1082;
	s9 =	sld [smem:$0x3FA4]  }
0x2f: {  	lr =	sadd.s32 s0, s3;
	s0 =	sld [smem:$0x3F9B]  }
0x30: {  	s3 =	sld [smem:$0x3F9E]  }
0x31: {  	[smem:$0x3FA7] =	sst s10  }
0x32: {  	s10 =	sld [smem:$0x3FA5];
	_ =	sdelay $0x3  }
0x33: {  	p0 =	seq.s32 s10, $0x1;
	s10 =	sld [smem:$0x3FA7];
	_ =	sdelay $0x3  }
0x34: {  	[smem:$0x3FA7] =	sst s10  }
0x35: {  	s10 =	sld [smem:$0x3FA6];
	_ =	sdelay $0x3  }
0x36: {  	p1 =	seq.s32 s10, $0x1;
	s10 =	sld [smem:$0x3FA7];
	_ =	sdelay $0x3  }
0x37: {  	[smem:$0x3FA7] =	sst s10  }
0x38: {  	s10 =	sld [smem:$0x3FA8]  }
0x39: {  	_ = 	snop;
	(pc) =	sbr.ind lr, $3  }
0x3a: {  	_ = 	snop  }
0x3b: {  	_ = 	snop  }
0x3c: {  	p2 =	seq.s32 s10, $0x1;
	s10 =	sld [smem:$0x3FA7]  }
0x3d: {  	_ =	shalt  }
0x3e: {  	_ =	shalt  }
0x3f: {  	_ =	shalt  }
0x40: {  	_ =	shalt  }
0x41: {  	_ =	shalt  }
0x42: {  	_ =	shalt  }
0x43: {  	_ =	shalt  }
0x44: {  	_ =	shalt  }
0x45: {  	_ =	shalt  }
0x46: {  	_ =	shalt  }
0x47: {  	_ =	shalt  }
0x48: {  	_ =	shalt  }
0x49: {  	_ =	shalt  }
0x4a: {  	_ =	shalt  }
0x4b: {  	_ =	shalt  }
0x4c: {  	_ =	shalt  }
0x4d: {  	_ =	shalt  }
0x4e: {  	_ =	shalt  }
0x4f: {  	_ =	shalt  }
0x50: {  	_ =	shalt  }
0x51: {  	_ =	shalt  }
0x52: {  	_ =	shalt  }
0x53: {  	_ =	shalt  }
0x54: {  	_ =	shalt  }
0x55: {  	_ =	shalt  }
0x56: {  	_ =	shalt  }
0x57: {  	_ =	shalt  }
0x58: {  	_ =	shalt  }
0x59: {  	_ =	shalt  }
0x5a: {  	_ =	shalt  }
0x5b: {  	_ =	shalt  }
0x5c: {  	_ =	shalt  }
0x5d: {  	_ =	shalt  }
0x5e: {  	_ =	shalt  }
0x5f: {  	_ =	shalt  }
0x60: {  	_ =	shalt  }
0x61: {  	_ =	shalt  }
0x62: {  	_ =	shalt  }
0x63: {  	_ =	shalt  }
0x64: {  	_ =	shalt  }
0x65: {  	_ =	shalt  }
0x66: {  	_ =	shalt  }
0x67: {  	_ =	shalt  }
0x68: {  	_ =	shalt  }
0x69: {  	_ =	shalt  }
0x6a: {  	_ =	shalt  }
0x6b: {  	_ =	shalt  }
0x6c: {  	_ =	shalt  }
0x6d: {  	_ =	shalt  }
0x6e: {  	_ =	shalt  }
0x6f: {  	_ =	shalt  }
0x70: {  	_ =	shalt  }
0x71: {  	_ =	shalt  }
0x72: {  	_ =	shalt  }
0x73: {  	_ =	shalt  }
0x74: {  	_ =	shalt  }
0x75: {  	_ =	shalt  }
0x76: {  	_ =	shalt  }
0x77: {  	_ =	shalt  }
0x78: {  	_ =	shalt  }
0x79: {  	_ =	shalt  }
0x7a: {  	_ =	shalt  }
0x7b: {  	_ =	shalt  }
0x7c: {  	_ =	shalt  }
0x7d: {  	_ =	shalt  }
0x7e: {  	_ =	shalt  }
0x7f: {  	_ =	shalt  }
0x80: {  	_ =	shalt  }
0x81: {  	_ =	shalt  }
0x82: {  	_ =	shalt  }
0x83: {  	_ =	shalt  }
0x84: {  	_ =	shalt  }
0x85: {  	_ =	shalt  }
0x86: {  	_ =	shalt  }
0x87: {  	_ =	shalt  }
.Lfunc_end0:
.L_simem_size_0:
called_computation.1_lowered:
.L_overlay_start_0:
0x88: {  	s2 =	sld [smem:$0x3FD9]  }
0x89: {  	s3 =	sld [smem:$0x3FFE];
	_ =	sdelay $0x1  }
0x8a: {  	s1 =	srdreg.scid  }
0x8b: {  	s0 =	sand.u32 $0x1, s1  }
0x8c: {  	s16 =	sshll.u32 s0, $0xA;
	s2 =	sadd.s32 s3, s2  }
0x8d: {  	s2 =	sadd.s32 s2, s16  }
0x8e: {  	[smem:$0x3FB3] =	sst s2  }
0x8f: {  	_ = 	snop  }
0x90: {  	(tm) =	ssettm $0x1  }
0x91: {  	s17 =	sld [smem:$0x3FFB];
	_ =	sdelay $0x3  }
0x92: {  	_ =	strace s17  }
0x93: {  	s2 =	sld [smem:$0x3FFC];
	_ =	sdelay $0x3  }
0x94: {  	_ =	strace s2  }
0x95: {  	s2 =	sld [smem:$0x3FFD];
	_ =	sdelay $0x3  }
0x96: {  	_ =	strace s2  }
0x97: {  	_ =	strace $0x8FFFFFFF  }
0x98: {  	s18 =	sld [smem:$0x3FDB];
	_ =	sdelay $0x1  }
0x99: {  	s19 =	simm.s32 $_scs_section_size  }
0x9a: {  	s4 =	simm.s32 $_size__tile_overlayer_lowered;
	s5 =	simm.s32 $_tile_overlayer_lowered  }
0x9b: {  	s22 =	simm.s32 $0x1BFF;
	s21 =	sshll.u32 s5, $0x1;
	s2 =	sadd.s32 s19, s18  }
0x9c: {  	s6 =	simm.s32 $0x0;
	s20 =	sshll.u32 s4, $0x1;
	s4 =	sadd.s32 s21, s2  }
0x9d: {  	[timem:s6], [sflag:s22] =	dma.local [hbm:s4], s20  }
0x9e: {  	_ =	swait.ge [sflag:s22], s20  }
0x9f: {  	s3 =	ssub.s32 $0x0, s20;
	[sflag:s22] =	ssyncset.done $0x0  }
0xa0: {  	[sflag:s22] =	ssyncadd.s32 s3;
	_ =	sdelay $0x1  }
0xa1: {  	s23 =	simm.s32 $0x1B8B  }
0xa2: {  	_ =	swait.ge [sflag:s23], $0x1  }
0xa3: {  	[sflag:s23] =	ssyncset.done $0x0  }
0xa4: {  	s25 =	simm.s32 $0x1B8E;
	s24 =	sld [smem:$0x3FFE];
	[sflag:s23] =	ssyncadd.s32 $0xFFFFFFFF  }
0xa5: {  	s26 =	simm.s32 $execute0_lowered;
	[smem:$0x3FD2] =	sst s25  }
0xa6: {  	s4 =	sshll.u32 s26, $0x1;
	_ =	strace $0x80000049;
	[dreg:$0x1] =	wrdreg $0xFFFFFFFF  }
0xa7: {  	s28 =	simm.s32 $_size_execute0_lowered;
	s2 =	sadd.s32 s2, s4;
	[dreg:$0x0] =	wrdreg $0x0  }
0xa8: {  	s4 =	sshll.u32 s28, $0x1;
	[dreg:$0x2] =	wrdreg s2  }
0xa9: {  	[dreg:$0x3] =	wrdreg s4  }
0xaa: {  	[dreg:$0x4] =	wrdreg $0xC0  }
0xab: {  	_ =	task [dreg:s6], $0x5FFFF  }
0xac: {  	[dreg:$0x1] =	wrdreg $0xFFFFFFFF  }
0xad: {  	[dreg:$0x0] =	wrdreg $0x60  }
0xae: {  	[dreg:$0x2] =	wrdreg s24  }
0xaf: {  	[dreg:$0x3] =	wrdreg $0x140000  }
0xb0: {  	[dreg:$0x4] =	wrdreg $0x9  }
0xb1: {  	_ =	task.clear_ibuf [dreg:s6], $0x5FFFF;
	_ =	strace $0x90000049  }
0xb2: {  	s29 =	simm.s32 $0x9;
	_ =	strace $0x8000004B  }
0xb3: {  	_ =	swait.ge [sflag:s29], $0x1  }
0xb4: {  	[sflag:s29] =	ssyncadd.s32 $0xFFFFFFFF  }
0xb5: {  	_ =	strace $0x9000004B  }
0xb6: {  	_ =	sfence  }
0xb7: {  	s30 =	sld [smem:$0x0];
	_ =	sdelay $0x2  }
0xb8: {  	s31 =	sshll.u32 s1, $0xD;
	s1 =	sshrl.u32 s1, $0x2  }
0xb9: {  	s3 =	sand.u32 $0x4000, s31;
	s1 =	sadd.s32 s1, s30  }
0xba: {  	s0 =	sor.u32 s3, s0;
	s1 =	sshll.u32 s1, $0x11  }
0xbb: {  	s0 =	sor.u32 s1, s0  }
0xbc: {  	s0 =	sadd.s32 $0x8F2B, s0  }
0xbd: {  	[sflag:s0] =	ssyncadd.remote.s32 $0x1  }
0xbe: {  	_ =	sfence.sel $0xFFFF  }
0xbf: {  	[dreg:$0x0] =	wrdreg $0xFFFFFFFF;
	(pc) =	sbr.abs _section_cstart, $3  }
0xc0: {  	[dreg:$0x1] =	wrdreg $0xFFFFFFFF  }
0xc1: {  	_ =	task.clear_ibuf [dreg:s6], $0x2FFFF;
	_ =	strace $0x9FFFFFFF  }
0xc2: {  	(tm) =	ssettm $0x7FFFFFFF  }
0xc3: {  	_ =	shalt  }
tec
execute0_lowered:
.L_overlay_start_1:
0x0: {  	(tag) =	ssettag $0x1  }
0x1: {  	s0 =	srdreg.scid;
	s1 =	rddreg [dreg:$0x0]  }
0x2: {  	s10 =	stileid.u32;
	s2 =	rddreg [dreg:$0x1];
	s3 =	simm.s32 $0x0  }
0x3: {  	s12 =	simm.s32 $0x6;
	s14 =	simm.s32 $0x80;
	s15 =	simm.s32 $0xA000  }
0x4: {  	s16 =	simm.s32 $0xC000;
	s18 =	simm.s32 $0xE000;
	s20 =	simm.s32 $0x10000  }
0x5: {  	s22 =	simm.s32 $0x12000;
	s28 =	simm.s32 $0x5;
	s29 =	simm.s32 $0x9D80  }
0x6: {  	s30 =	simm.s32 $0x9E00;
	s31 =	simm.s32 $0x9E80;
	s5 =	smul.u32 $0xA00, s10  }
0x7: {  	s13 =	simm.s32 $0x0;
	s0 =	sand.u32 $0x1, s0;
	s6 =	smul.u32 $0x9E00, s10  }
0x8: {  	[smem:$0x7FF] =	sst s3;
	s26 =	sshll.u32 s10, $0x6;
	s4 =	smul.u32 $0x13880, s0  }
0x9: {  	s7 =	smul.u32 $0x9E000, s0;
	_ =	strace $0x8000004A;
	s0 =	ssub.s32 $0x2, s0  }
0xa: {  	s9 =	sadd.s32 s5, s1;
	s24 =	sshrl.u32 s6, $0x3;
	s25 =	sshrl.u32 s0, $0x1  }
0xb: {  	s11 =	sadd.s32 s6, s2;
	s8 =	sadd.s32 s4, s1;
	s23 =	sadd.s32 s6, s7  }
0xc: {  	s5 =	sadd.s32 s24, s1;
	s0 =	ssub.s32 s0, s25;
	s6 =	sadd.s32 $0x34000, s9  }
0xd: {  	s7 =	sadd.s32 $0x2A000, s9;
	s11 =	sshrl.u32 s11, $0x3;
	s24 =	simm.s32 $0x2  }
0xe: {  	s25 =	simm.s32 $0x3;
	s4 =	sshrl.u32 s23, $0x3;
	s8 =	sadd.s32 $0x2E00, s8  }
0xf: {  	s10 =	smax.u32 s0, $0x1;
	s23 =	simm.s32 $0x1;
	s0 =	simm.s32 $0x9F80  }
0x10: {  	s1 =	sadd.s32 s4, s1;
	s4 =	sadd.s32 $0x3E000, s5;
	s5 =	sor.u32 $0x1C06, s26  }
0x11: {  	s26 =	simm.s32 $0x4;
	s9 =	sadd.s32 $0x51C00, s1;
	s1 =	simm.s32 $0x9F00  }
.LBB2_1:
0x12: {  	[spmem:s11], [sflag:s5] =	dma.local [hbm:s4], $0x13C0  }
0x13: {  	_ =	swait.ge [sflag:s12], $0x13C0  }
0x14: {  	[sflag:s12] =	ssyncset.done $0x0  }
0x15: {  	[sflag:s12] =	ssyncadd.s32 $0xFFFFEC40  }
0x16: {  	[tilespmem:s3], [sflag:$0x6] =	stream.linear.gather [hbm4b:s6+s3], $0x5000, $0x38;
	[tilespmem:$0x1DE00] =	vst v63  }
0x17: {  	_ =	swait.ge [sflag:s12], $0x5000  }
0x18: {  	[sflag:s12] =	ssyncset.done $0x0  }
0x19: {  	s17 =	simm.s32 $0x5000;
	[sflag:s12] =	ssyncadd.s32 $0xFFFFB000  }
0x1a: {  	[tilespmem:s17], [sflag:$0x6] =	stream.linear.gather [hbm4b:s7+s3], $0x5000, $0x38;
	[tilespmem:$0x1DE00] =	vst v63  }
0x1b: {  	_ =	swait.ge [sflag:s12], $0x5000  }
0x1c: {  	[sflag:s12] =	ssyncset.done $0x0  }
0x1d: {  	[sflag:s12] =	ssyncadd.s32 $0xFFFFB000  }
0x1e: {  	[bflag:$0x0] =	sbarrier.arrive $0xFFFF  }
0x1f: {  	[tilespmem:s15], [sflag:$0x1] =	stream.indirect.gather [hbm4b:s8+s14], $0x40, s3, s14, $0xb8;
	[tilespmem:$0x1DE00] =	vst v63  }
0x20: {  	_ = 	snop  }
0x21: {  	[tilespmem:s16], [sflag:$0x2] =	stream.indirect.gather [hbm4b:s8+s14], $0x40, s14, s14, $0xb8;
	[tilespmem:$0x1DE00] =	vst v63  }
0x22: {  	s19 =	simm.s32 $0x100  }
0x23: {  	[tilespmem:s18], [sflag:$0x3] =	stream.indirect.gather [hbm4b:s8+s14], $0x40, s19, s14, $0xb8;
	[tilespmem:$0x1DE00] =	vst v63  }
0x24: {  	s21 =	simm.s32 $0x180  }
0x25: {  	[tilespmem:s20], [sflag:$0x4] =	stream.indirect.gather [hbm4b:s8+s14], $0x40, s21, s14, $0xb8;
	[tilespmem:$0x1DE00] =	vst v63  }
0x26: {  	s19 =	simm.s32 $0x200  }
0x27: {  	[tilespmem:s22], [sflag:$0x5] =	stream.indirect.gather [hbm4b:s8+s14], $0x40, s19, s14, $0xb8;
	[tilespmem:$0x1DE00] =	vst v63  }
0x28: {  	_ =	swait.ge [sflag:s23], $0x2000  }
0x29: {  	[sflag:s23] =	ssyncset.done $0x0  }
0x2a: {  	s21 =	simm.s32 $0x5000;
	[sflag:s23] =	ssyncadd.s32 $0xFFFFE000  }
0x2b: {  	[spmem:s2] =	stream.indirect.scatter.add.f32 [tilespmem:s15], [sflag:$0x6], $0x40, s21, s14, $0xb8;
	[tilespmem:$0x1DE00] =	vst v63  }
0x2c: {  	_ =	swait.ge [sflag:s12], $0x2000  }
0x2d: {  	[sflag:s12] =	ssyncset.done $0x0  }
0x2e: {  	s19 =	simm.s32 $0x280;
	[sflag:s12] =	ssyncadd.s32 $0xFFFFE000  }
0x2f: {  	[tilespmem:s15], [sflag:$0x1] =	stream.indirect.gather [hbm4b:s8+s14], $0x40, s19, s14, $0xb8;
	[tilespmem:$0x1DE00] =	vst v63  }
0x30: {  	_ =	swait.ge [sflag:s24], $0x2000  }
0x31: {  	[sflag:s24] =	ssyncset.done $0x0  }
0x32: {  	s21 =	simm.s32 $0x5080;
	[sflag:s24] =	ssyncadd.s32 $0xFFFFE000  }
0x33: {  	[spmem:s2] =	stream.indirect.scatter.add.f32 [tilespmem:s16], [sflag:$0x6], $0x40, s21, s14, $0xb8;
	[tilespmem:$0x1DE00] =	vst v63  }
0x34: {  	_ =	swait.ge [sflag:s12], $0x2000  }
0x35: {  	[sflag:s12] =	ssyncset.done $0x0  }
0x36: {  	s19 =	simm.s32 $0x300;
	[sflag:s12] =	ssyncadd.s32 $0xFFFFE000  }
0x37: {  	[tilespmem:s16], [sflag:$0x2] =	stream.indirect.gather [hbm4b:s8+s14], $0x40, s19, s14, $0xb8;
	[tilespmem:$0x1DE00] =	vst v63  }
0x38: {  	_ =	swait.ge [sflag:s25], $0x2000  }
0x39: {  	[sflag:s25] =	ssyncset.done $0x0  }
0x3a: {  	s21 =	simm.s32 $0x5100;
	[sflag:s25] =	ssyncadd.s32 $0xFFFFE000  }
0x3b: {  	[spmem:s2] =	stream.indirect.scatter.add.f32 [tilespmem:s18], [sflag:$0x6], $0x40, s21, s14, $0xb8;
	[tilespmem:$0x1DE00] =	vst v63  }
0x3c: {  	_ =	swait.ge [sflag:s12], $0x2000  }
0x3d: {  	[sflag:s12] =	ssyncset.done $0x0  }
0x3e: {  	s19 =	simm.s32 $0x380;
	[sflag:s12] =	ssyncadd.s32 $0xFFFFE000  }
0x3f: {  	[tilespmem:s18], [sflag:$0x3] =	stream.indirect.gather [hbm4b:s8+s14], $0x40, s19, s14, $0xb8;
	[tilespmem:$0x1DE00] =	vst v63  }
0x40: {  	_ =	swait.ge [sflag:s26], $0x2000  }
0x41: {  	[sflag:s26] =	ssyncset.done $0x0  }
0x42: {  	s21 =	simm.s32 $0x5180;
	[sflag:s26] =	ssyncadd.s32 $0xFFFFE000  }
0x43: {  	[spmem:s2] =	stream.indirect.scatter.add.f32 [tilespmem:s20], [sflag:$0x6], $0x40, s21, s14, $0xb8;
	[tilespmem:$0x1DE00] =	vst v63  }
0x44: {  	_ =	swait.ge [sflag:s12], $0x2000  }
0x45: {  	[sflag:s12] =	ssyncset.done $0x0  }
0x46: {  	s19 =	simm.s32 $0x400;
	[sflag:s12] =	ssyncadd.s32 $0xFFFFE000  }
0x47: {  	[tilespmem:s20], [sflag:$0x4] =	stream.indirect.gather [hbm4b:s8+s14], $0x40, s19, s14, $0xb8;
	[tilespmem:$0x1DE00] =	vst v63  }
0x48: {  	_ =	swait.ge [sflag:s28], $0x2000  }
0x49: {  	[sflag:s28] =	ssyncset.done $0x0  }
0x4a: {  	s21 =	simm.s32 $0x5200;
	[sflag:s28] =	ssyncadd.s32 $0xFFFFE000  }
0x4b: {  	[spmem:s2] =	stream.indirect.scatter.add.f32 [tilespmem:s22], [sflag:$0x6], $0x40, s21, s14, $0xb8;
	[tilespmem:$0x1DE00] =	vst v63  }
0x4c: {  	_ =	swait.ge [sflag:s12], $0x2000  }
0x4d: {  	[sflag:s12] =	ssyncset.done $0x0  }
0x4e: {  	s17 =	simm.s32 $0xA00;
	s19 =	simm.s32 $0x480;
	[sflag:s12] =	ssyncadd.s32 $0xFFFFE000  }
.LBB2_2:
0x4f: {  	[tilespmem:s22], [sflag:$0x5] =	stream.indirect.gather [hbm4b:s8+s14], $0x40, s19, s14, $0xb8;
	[tilespmem:$0x1DE00] =	vst v63  }
0x50: {  	s19 =	smov.u32 s17  }
0x51: {  	p0 =	sne.s32 s17, $0x12C00;
	s17 =	sadd.s32 $0xA00, s17;
	_ =	swait.ge [sflag:s23], $0x2000  }
0x52: {  	s19 =	sshra.s32 s19, $0x2;
	[sflag:s23] =	ssyncset.done $0x0  }
0x53: {  	s21 =	sadd.s32 $0x5000, s19;
	[sflag:s23] =	ssyncadd.s32 $0xFFFFE000  }
0x54: {  	[spmem:s2] =	stream.indirect.scatter.add.f32 [tilespmem:s15], [sflag:$0x6], $0x40, s21, s14, $0xb8;
	[tilespmem:$0x1DE00] =	vst v63  }
0x55: {  	_ =	swait.ge [sflag:s12], $0x2000  }
0x56: {  	[sflag:s12] =	ssyncset.done $0x0  }
0x57: {  	s21 =	sadd.s32 $0x280, s19;
	[sflag:s12] =	ssyncadd.s32 $0xFFFFE000  }
0x58: {  	[tilespmem:s15], [sflag:$0x1] =	stream.indirect.gather [hbm4b:s8+s14], $0x40, s21, s14, $0xb8;
	[tilespmem:$0x1DE00] =	vst v63  }
0x59: {  	_ =	swait.ge [sflag:s24], $0x2000  }
0x5a: {  	[sflag:s24] =	ssyncset.done $0x0  }
0x5b: {  	s21 =	sadd.s32 $0x5080, s19;
	[sflag:s24] =	ssyncadd.s32 $0xFFFFE000  }
0x5c: {  	[spmem:s2] =	stream.indirect.scatter.add.f32 [tilespmem:s16], [sflag:$0x6], $0x40, s21, s14, $0xb8;
	[tilespmem:$0x1DE00] =	vst v63  }
0x5d: {  	_ =	swait.ge [sflag:s12], $0x2000  }
0x5e: {  	[sflag:s12] =	ssyncset.done $0x0  }
0x5f: {  	s21 =	sadd.s32 $0x300, s19;
	[sflag:s12] =	ssyncadd.s32 $0xFFFFE000  }
0x60: {  	[tilespmem:s16], [sflag:$0x2] =	stream.indirect.gather [hbm4b:s8+s14], $0x40, s21, s14, $0xb8;
	[tilespmem:$0x1DE00] =	vst v63  }
0x61: {  	_ =	swait.ge [sflag:s25], $0x2000  }
0x62: {  	[sflag:s25] =	ssyncset.done $0x0  }
0x63: {  	s21 =	sadd.s32 $0x5100, s19;
	[sflag:s25] =	ssyncadd.s32 $0xFFFFE000  }
0x64: {  	[spmem:s2] =	stream.indirect.scatter.add.f32 [tilespmem:s18], [sflag:$0x6], $0x40, s21, s14, $0xb8;
	[tilespmem:$0x1DE00] =	vst v63  }
0x65: {  	_ =	swait.ge [sflag:s12], $0x2000  }
0x66: {  	[sflag:s12] =	ssyncset.done $0x0  }
0x67: {  	s21 =	sadd.s32 $0x380, s19;
	[sflag:s12] =	ssyncadd.s32 $0xFFFFE000  }
0x68: {  	[tilespmem:s18], [sflag:$0x3] =	stream.indirect.gather [hbm4b:s8+s14], $0x40, s21, s14, $0xb8;
	[tilespmem:$0x1DE00] =	vst v63  }
0x69: {  	_ =	swait.ge [sflag:s26], $0x2000  }
0x6a: {  	[sflag:s26] =	ssyncset.done $0x0  }
0x6b: {  	s21 =	sadd.s32 $0x5180, s19;
	[sflag:s26] =	ssyncadd.s32 $0xFFFFE000  }
0x6c: {  	[spmem:s2] =	stream.indirect.scatter.add.f32 [tilespmem:s20], [sflag:$0x6], $0x40, s21, s14, $0xb8;
	[tilespmem:$0x1DE00] =	vst v63  }
0x6d: {  	_ =	swait.ge [sflag:s12], $0x2000  }
0x6e: {  	[sflag:s12] =	ssyncset.done $0x0  }
0x6f: {  	s21 =	sadd.s32 $0x400, s19;
	[sflag:s12] =	ssyncadd.s32 $0xFFFFE000  }
0x70: {  	[tilespmem:s20], [sflag:$0x4] =	stream.indirect.gather [hbm4b:s8+s14], $0x40, s21, s14, $0xb8;
	[tilespmem:$0x1DE00] =	vst v63  }
0x71: {  	_ =	swait.ge [sflag:s28], $0x2000  }
0x72: {  	[sflag:s28] =	ssyncset.done $0x0  }
.Ltmp0:
0x73: {  	s21 =	sadd.s32 $0x5200, s19;
	[sflag:s28] =	ssyncadd.s32 $0xFFFFE000;
	(pc) =	sbr.rel @p0 .LBB2_2-.Ltmp0, $4  }
0x74: {  	[spmem:s2] =	stream.indirect.scatter.add.f32 [tilespmem:s22], [sflag:$0x6], $0x40, s21, s14, $0xb8;
	[tilespmem:$0x1DE00] =	vst v63  }
0x75: {  	_ =	swait.ge [sflag:s12], $0x2000  }
0x76: {  	[sflag:s12] =	ssyncset.done $0x0  }
0x77: {  	s19 =	sadd.s32 $0x480, s19;
	[sflag:s12] =	ssyncadd.s32 $0xFFFFE000  }
0x78: {  	[tilespmem:s22], [sflag:$0x5] =	stream.indirect.gather [hbm4b:s8+s14], $0x40, s19, s14, $0xb8;
	[tilespmem:$0x1DE00] =	vst v63  }
0x79: {  	_ =	swait.ge [sflag:s23], $0x2000  }
0x7a: {  	[sflag:s23] =	ssyncset.done $0x0  }
0x7b: {  	[sflag:s23] =	ssyncadd.s32 $0xFFFFE000  }
0x7c: {  	[spmem:s2] =	stream.indirect.scatter.add.f32 [tilespmem:s15], [sflag:$0x6], $0x40, s29, s14, $0xb8;
	[tilespmem:$0x1DE00] =	vst v63  }
0x7d: {  	_ =	swait.ge [sflag:s12], $0x2000  }
0x7e: {  	[sflag:s12] =	ssyncset.done $0x0  }
0x7f: {  	[sflag:s12] =	ssyncadd.s32 $0xFFFFE000  }
0x80: {  	_ =	swait.ge [sflag:s24], $0x2000  }
0x81: {  	[sflag:s24] =	ssyncset.done $0x0  }
0x82: {  	[sflag:s24] =	ssyncadd.s32 $0xFFFFE000  }
0x83: {  	[spmem:s2] =	stream.indirect.scatter.add.f32 [tilespmem:s16], [sflag:$0x6], $0x40, s30, s14, $0xb8;
	[tilespmem:$0x1DE00] =	vst v63  }
0x84: {  	_ =	swait.ge [sflag:s12], $0x2000  }
0x85: {  	[sflag:s12] =	ssyncset.done $0x0  }
0x86: {  	[sflag:s12] =	ssyncadd.s32 $0xFFFFE000  }
0x87: {  	_ =	swait.ge [sflag:s25], $0x2000  }
0x88: {  	[sflag:s25] =	ssyncset.done $0x0  }
0x89: {  	[sflag:s25] =	ssyncadd.s32 $0xFFFFE000  }
0x8a: {  	[spmem:s2] =	stream.indirect.scatter.add.f32 [tilespmem:s18], [sflag:$0x6], $0x40, s31, s14, $0xb8;
	[tilespmem:$0x1DE00] =	vst v63  }
0x8b: {  	_ =	swait.ge [sflag:s12], $0x2000  }
0x8c: {  	[sflag:s12] =	ssyncset.done $0x0  }
0x8d: {  	[sflag:s12] =	ssyncadd.s32 $0xFFFFE000  }
0x8e: {  	_ =	swait.ge [sflag:s26], $0x2000  }
0x8f: {  	[sflag:s26] =	ssyncset.done $0x0  }
0x90: {  	[sflag:s26] =	ssyncadd.s32 $0xFFFFE000  }
0x91: {  	[spmem:s2] =	stream.indirect.scatter.add.f32 [tilespmem:s20], [sflag:$0x6], $0x40, s1, s14, $0xb8;
	[tilespmem:$0x1DE00] =	vst v63  }
0x92: {  	_ =	swait.ge [sflag:s12], $0x2000  }
0x93: {  	[sflag:s12] =	ssyncset.done $0x0  }
0x94: {  	[sflag:s12] =	ssyncadd.s32 $0xFFFFE000  }
0x95: {  	_ =	swait.ge [sflag:s28], $0x2000  }
0x96: {  	[sflag:s28] =	ssyncset.done $0x0  }
0x97: {  	[sflag:s28] =	ssyncadd.s32 $0xFFFFE000  }
0x98: {  	[spmem:s2] =	stream.indirect.scatter.add.f32 [tilespmem:s22], [sflag:$0x6], $0x40, s0, s14, $0xb8;
	[tilespmem:$0x1DE00] =	vst v63  }
0x99: {  	_ =	swait.ge [sflag:s12], $0x2000  }
0x9a: {  	s13 =	sadd.s32 $0x1, s13;
	[sflag:s12] =	ssyncset.done $0x0  }
0x9b: {  	p0 =	sne.s32 s13, s10;
	[sflag:s12] =	ssyncadd.s32 $0xFFFFE000  }
.Ltmp1:
0x9c: {  	[bflag:$0x0] =	sbarrier.arrive $0xFFFF;
	(pc) =	sbr.rel @p0 .LBB2_1-.Ltmp1, $4  }
0x9d: {  	[hbm:s9], [sflag:s5] =	dma.local [spmem:s11], $0x13C0  }
0x9e: {  	_ =	swait.ge [sflag:s12], $0x13C0  }
0x9f: {  	[sflag:s12] =	ssyncset.done $0x0  }
0xa0: {  	[sflag:s12] =	ssyncadd.s32 $0xFFFFEC40  }
0xa1: {  	_ =	sfence.sel $0x180000  }
0xa2: {  	[bflag:$0x0] =	sbarrier.arrive $0xFFFF  }
0xa3: {  	_ =	strace $0x9000004A  }
0xa4: {  	s0 =	stileid.u32;
	[bflag:$0x2] =	sbarrier.arrive $0xFFFF  }
0xa5: {  	p0 =	sne.s32 s0, $0x0;
	s0 =	rddreg [dreg:$0x2]  }
0xa6: {  	s0 =	sadd.s32 @!p0 $0x100000, s0  }
0xa7: {  	[sflag:s0] =	ssyncadd.tile.s32 @!p0 $0x1;
	_ =	shalt  }
.Lfunc_end2:
_tile_overlayer_lowered:
.L_overlay_start_2:
0xa8: {  	(tag) =	ssettag $0x2  }
0xa9: {  	s0 =	rddreg [dreg:$0x0];
	s2 =	stileid.u32  }
0xaa: {  	s1 =	rddreg [dreg:$0x1];
	p0 =	sne.s32 s2, $0x0  }
0xab: {  	s3 =	rddreg [dreg:$0x2];
	[bflag:$0x3] =	sbarrier.arrive $0xFFFF;
	s2 =	simm.s32 @!p0 $0x1C06  }
0xac: {  	[timem:s3], [sflag:s2] =	dma.local @!p0 [hbm:s0], s1  }
0xad: {  	s0 =	simm.s32 @!p0 $0x6  }
0xae: {  	_ =	swait.ge @!p0 [sflag:s0], s1  }
0xaf: {  	s1 =	ssub.s32 @!p0 $0x0, s1;
	[sflag:s0] =	ssyncset.done @!p0 $0x0  }
0xb0: {  	[sflag:s0] =	ssyncadd.s32 @!p0 s1  }
0xb1: {  	[bflag:$0x3] =	sbarrier.arrive $0xFFFF  }
0xb2: {  	_ =	shalt  }

// kernel: kernel.8.cloned.1.call-start
scs
__scs_entry_jumppad:
0x0: {  	(pc) =	sbr.rel $0x88, $3  }
0x1: {  	(tag) =	ssettag $0x0;
	lr =	simm.s32 $0x1  }
0x2: {  	[smem:$0x3F8C] =	sst lr;
	_ =	strace $0xD0000000  }
0x3: {  	_ = 	snop  }
0x4: {  	_ = 	snop  }
0x5: {  	_ = 	snop  }
0x6: {  	_ = 	snop  }
0x7: {  	_ = 	snop  }
__scs_overlays_trampoline_lowered:
0x8: {  	[smem:$0x3F9B] =	sst s0  }
0x9: {  	[smem:$0x3F9C] =	sst s1  }
0xa: {  	[smem:$0x3F9D] =	sst s2  }
0xb: {  	[smem:$0x3F9E] =	sst s3  }
0xc: {  	[smem:$0x3F9F] =	sst s4  }
0xd: {  	[smem:$0x3FA0] =	sst s5  }
0xe: {  	[smem:$0x3FA1] =	sst s6  }
0xf: {  	[smem:$0x3FA2] =	sst s7  }
0x10: {  	[smem:$0x3FA3] =	sst s8  }
0x11: {  	[smem:$0x3FA4] =	sst s9;
	s0 =	simm.s32 @!p0 $0x0  }
0x12: {  	s1 =	sld [smem:$0x3F8A];
	s0 =	simm.s32 @p0 $0x1  }
0x13: {  	[smem:$0x3FA5] =	sst s0;
	s0 =	simm.s32 @!p1 $0x0  }
0x14: {  	s2 =	sld [smem:$0x3F89];
	s0 =	simm.s32 @p1 $0x1  }
0x15: {  	[smem:$0x3FA6] =	sst s0;
	s0 =	simm.s32 @!p2 $0x0  }
0x16: {  	s3 =	sld [smem:$0x3FDB];
	s0 =	simm.s32 @p2 $0x1  }
0x17: {  	s4 =	simm.s32 $0x1BF5;
	[smem:$0x3FA8] =	sst s0  }
0x18: {  	s0 =	sld [smem:$0x3F8B];
	_ =	swait.ge [sflag:s4], $0x0  }
0x19: {  	s7 =	sld [smem:$0x3F8C]  }
0x1a: {  	s8 =	sadd.s32 $0xFFFFE003, lr  }
0x1b: {  	s9 =	sadd.s32 $0xFFFFFEF7, lr;
	s5 =	simm.s32 $0xFFFFFFFF;
	p2 =	slt.u32 s8, $0xFFFFF086  }
0x1c: {  	p1 =	slt.u32 s9, $0xF7A;
	s5 =	simm.s32 @!p2 $0x0  }
0x1d: {  	s5 =	simm.s32 @p1 $0x1;
	p0 =	seq.s32 s7, s2  }
0x1e: {  	s7 =	smul.u32 @!p0 $0xF7A, s2;
	p2 =	seq.s32 @!p0 s5, $0x0  }
0x1f: {  	s9 =	smul.u32 $0xF7A, s1;
	s8 =	simm.s32 @!p0 $0x1BF5;
	p2 =	por !p2, p0  }
0x20: {  	[sflag:s8] =	ssyncset.s32 @!p0 $0xFFFFF086;
	s6 =	sadd.s32 @!p0 s3, s7;
	s7 =	simm.s32 @!p0 $0x108  }
0x21: {  	s3 =	sadd.s32 s3, s9;
	s6 =	sadd.s32 @!p0 $0x88, s6;
	s7 =	simm.s32 @p2 $0x1082  }
0x22: {  	[simem:s7], [sflag:s8] =	dma.local @!p0 [hbm:s6], $0xF7A  }
0x23: {  	s9 =	sor.u32 $0xD0000000, s2;
	s6 =	simm.s32 $0x108;
	_ =	swait.ge @!p0 [sflag:s8], $0x0  }
0x24: {  	s3 =	sadd.s32 $0x88, s3;
	s6 =	simm.s32 @!p1 $0x1082;
	[sflag:s4] =	ssyncset.s32 $0xFFFFF086  }
0x25: {  	[simem:s6], [sflag:s4] =	dma.local [hbm:s3], $0xF7A  }
0x26: {  	[smem:$0x3F8C] =	sst s1;
	(tag) =	ssettag s2;
	_ =	strace s9  }
0x27: {  	s1 =	sld [smem:$0x3F9C]  }
0x28: {  	s2 =	sld [smem:$0x3F9D]  }
0x29: {  	s4 =	sld [smem:$0x3F9F]  }
0x2a: {  	p0 =	seq.s32 s5, $0x0;
	s5 =	sld [smem:$0x3FA0]  }
0x2b: {  	s6 =	sld [smem:$0x3FA1]  }
0x2c: {  	s7 =	sld [smem:$0x3FA2]  }
0x2d: {  	s3 =	simm.s32 $0x108;
	s8 =	sld [smem:$0x3FA3]  }
0x2e: {  	s3 =	simm.s32 @!p0 $0x1082;
	s9 =	sld [smem:$0x3FA4]  }
0x2f: {  	lr =	sadd.s32 s0, s3;
	s0 =	sld [smem:$0x3F9B]  }
0x30: {  	s3 =	sld [smem:$0x3F9E]  }
0x31: {  	[smem:$0x3FA7] =	sst s10  }
0x32: {  	s10 =	sld [smem:$0x3FA5];
	_ =	sdelay $0x3  }
0x33: {  	p0 =	seq.s32 s10, $0x1;
	s10 =	sld [smem:$0x3FA7];
	_ =	sdelay $0x3  }
0x34: {  	[smem:$0x3FA7] =	sst s10  }
0x35: {  	s10 =	sld [smem:$0x3FA6];
	_ =	sdelay $0x3  }
0x36: {  	p1 =	seq.s32 s10, $0x1;
	s10 =	sld [smem:$0x3FA7];
	_ =	sdelay $0x3  }
0x37: {  	[smem:$0x3FA7] =	sst s10  }
0x38: {  	s10 =	sld [smem:$0x3FA8]  }
0x39: {  	_ = 	snop;
	(pc) =	sbr.ind lr, $3  }
0x3a: {  	_ = 	snop  }
0x3b: {  	_ = 	snop  }
0x3c: {  	p2 =	seq.s32 s10, $0x1;
	s10 =	sld [smem:$0x3FA7]  }
0x3d: {  	_ =	shalt  }
0x3e: {  	_ =	shalt  }
0x3f: {  	_ =	shalt  }
0x40: {  	_ =	shalt  }
0x41: {  	_ =	shalt  }
0x42: {  	_ =	shalt  }
0x43: {  	_ =	shalt  }
0x44: {  	_ =	shalt  }
0x45: {  	_ =	shalt  }
0x46: {  	_ =	shalt  }
0x47: {  	_ =	shalt  }
0x48: {  	_ =	shalt  }
0x49: {  	_ =	shalt  }
0x4a: {  	_ =	shalt  }
0x4b: {  	_ =	shalt  }
0x4c: {  	_ =	shalt  }
0x4d: {  	_ =	shalt  }
0x4e: {  	_ =	shalt  }
0x4f: {  	_ =	shalt  }
0x50: {  	_ =	shalt  }
0x51: {  	_ =	shalt  }
0x52: {  	_ =	shalt  }
0x53: {  	_ =	shalt  }
0x54: {  	_ =	shalt  }
0x55: {  	_ =	shalt  }
0x56: {  	_ =	shalt  }
0x57: {  	_ =	shalt  }
0x58: {  	_ =	shalt  }
0x59: {  	_ =	shalt  }
0x5a: {  	_ =	shalt  }
0x5b: {  	_ =	shalt  }
0x5c: {  	_ =	shalt  }
0x5d: {  	_ =	shalt  }
0x5e: {  	_ =	shalt  }
0x5f: {  	_ =	shalt  }
0x60: {  	_ =	shalt  }
0x61: {  	_ =	shalt  }
0x62: {  	_ =	shalt  }
0x63: {  	_ =	shalt  }
0x64: {  	_ =	shalt  }
0x65: {  	_ =	shalt  }
0x66: {  	_ =	shalt  }
0x67: {  	_ =	shalt  }
0x68: {  	_ =	shalt  }
0x69: {  	_ =	shalt  }
0x6a: {  	_ =	shalt  }
0x6b: {  	_ =	shalt  }
0x6c: {  	_ =	shalt  }
0x6d: {  	_ =	shalt  }
0x6e: {  	_ =	shalt  }
0x6f: {  	_ =	shalt  }
0x70: {  	_ =	shalt  }
0x71: {  	_ =	shalt  }
0x72: {  	_ =	shalt  }
0x73: {  	_ =	shalt  }
0x74: {  	_ =	shalt  }
0x75: {  	_ =	shalt  }
0x76: {  	_ =	shalt  }
0x77: {  	_ =	shalt  }
0x78: {  	_ =	shalt  }
0x79: {  	_ =	shalt  }
0x7a: {  	_ =	shalt  }
0x7b: {  	_ =	shalt  }
0x7c: {  	_ =	shalt  }
0x7d: {  	_ =	shalt  }
0x7e: {  	_ =	shalt  }
0x7f: {  	_ =	shalt  }
0x80: {  	_ =	shalt  }
0x81: {  	_ =	shalt  }
0x82: {  	_ =	shalt  }
0x83: {  	_ =	shalt  }
0x84: {  	_ =	shalt  }
0x85: {  	_ =	shalt  }
0x86: {  	_ =	shalt  }
0x87: {  	_ =	shalt  }
.Lfunc_end0:
.L_simem_size_0:
called_computation_lowered:
.L_overlay_start_0:
0x88: {  	s2 =	sld [smem:$0x3FD9]  }
0x89: {  	s3 =	sld [smem:$0x3FFE];
	_ =	sdelay $0x1  }
0x8a: {  	s1 =	srdreg.scid  }
0x8b: {  	s0 =	sand.u32 $0x1, s1  }
0x8c: {  	s16 =	sshll.u32 s0, $0xA;
	s2 =	sadd.s32 s3, s2  }
0x8d: {  	s2 =	sadd.s32 s2, s16  }
0x8e: {  	[smem:$0x3FB3] =	sst s2  }
0x8f: {  	_ = 	snop  }
0x90: {  	(tm) =	ssettm $0x1  }
0x91: {  	s17 =	sld [smem:$0x3FFB];
	_ =	sdelay $0x3  }
0x92: {  	_ =	strace s17  }
0x93: {  	s2 =	sld [smem:$0x3FFC];
	_ =	sdelay $0x3  }
0x94: {  	_ =	strace s2  }
0x95: {  	s2 =	sld [smem:$0x3FFD];
	_ =	sdelay $0x3  }
0x96: {  	_ =	strace s2  }
0x97: {  	_ =	strace $0x8FFFFFFF  }
0x98: {  	s18 =	sld [smem:$0x3FDB];
	_ =	sdelay $0x1  }
0x99: {  	s19 =	simm.s32 $_scs_section_size  }
0x9a: {  	s4 =	simm.s32 $_size__tile_overlayer_lowered;
	s5 =	simm.s32 $_tile_overlayer_lowered  }
0x9b: {  	s22 =	simm.s32 $0x1BFF;
	s21 =	sshll.u32 s5, $0x1;
	s2 =	sadd.s32 s19, s18  }
0x9c: {  	s6 =	simm.s32 $0x0;
	s20 =	sshll.u32 s4, $0x1;
	s4 =	sadd.s32 s21, s2  }
0x9d: {  	[timem:s6], [sflag:s22] =	dma.local [hbm:s4], s20  }
0x9e: {  	_ =	swait.ge [sflag:s22], s20  }
0x9f: {  	s3 =	ssub.s32 $0x0, s20;
	[sflag:s22] =	ssyncset.done $0x0  }
0xa0: {  	[sflag:s22] =	ssyncadd.s32 s3;
	_ =	sdelay $0x1  }
0xa1: {  	s23 =	simm.s32 $0x1B8B  }
0xa2: {  	_ =	swait.ge [sflag:s23], $0x1  }
0xa3: {  	[sflag:s23] =	ssyncset.done $0x0  }
0xa4: {  	s25 =	simm.s32 $0x1B8E;
	s24 =	sld [smem:$0x3FFE];
	[sflag:s23] =	ssyncadd.s32 $0xFFFFFFFF  }
0xa5: {  	s26 =	simm.s32 $execute0_lowered;
	[smem:$0x3FD2] =	sst s25  }
0xa6: {  	s4 =	sshll.u32 s26, $0x1;
	_ =	strace $0x80000046;
	[dreg:$0x1] =	wrdreg $0xFFFFFFFF  }
0xa7: {  	s28 =	simm.s32 $_size_execute0_lowered;
	s2 =	sadd.s32 s2, s4;
	[dreg:$0x0] =	wrdreg $0x0  }
0xa8: {  	s4 =	sshll.u32 s28, $0x1;
	[dreg:$0x2] =	wrdreg s2  }
0xa9: {  	[dreg:$0x3] =	wrdreg s4  }
0xaa: {  	[dreg:$0x4] =	wrdreg $0xC0  }
0xab: {  	_ =	task [dreg:s6], $0x5FFFF  }
0xac: {  	[dreg:$0x1] =	wrdreg $0xFFFFFFFF  }
0xad: {  	[dreg:$0x0] =	wrdreg $0x60  }
0xae: {  	[dreg:$0x2] =	wrdreg s24  }
0xaf: {  	[dreg:$0x3] =	wrdreg $0x140000  }
0xb0: {  	[dreg:$0x4] =	wrdreg $0x9  }
0xb1: {  	_ =	task.clear_ibuf [dreg:s6], $0x5FFFF;
	_ =	strace $0x90000046  }
0xb2: {  	s29 =	simm.s32 $0x9;
	_ =	strace $0x80000048  }
0xb3: {  	_ =	swait.ge [sflag:s29], $0x1  }
0xb4: {  	[sflag:s29] =	ssyncadd.s32 $0xFFFFFFFF  }
0xb5: {  	_ =	strace $0x90000048  }
0xb6: {  	_ =	sfence  }
0xb7: {  	s30 =	sld [smem:$0x0];
	_ =	sdelay $0x2  }
0xb8: {  	s31 =	sshll.u32 s1, $0xD;
	s1 =	sshrl.u32 s1, $0x2  }
0xb9: {  	s3 =	sand.u32 $0x4000, s31;
	s1 =	sadd.s32 s1, s30  }
0xba: {  	s0 =	sor.u32 s3, s0;
	s1 =	sshll.u32 s1, $0x11  }
0xbb: {  	s0 =	sor.u32 s1, s0  }
0xbc: {  	s0 =	sadd.s32 $0x8F2B, s0  }
0xbd: {  	[sflag:s0] =	ssyncadd.remote.s32 $0x1  }
0xbe: {  	_ =	sfence.sel $0xFFFF  }
0xbf: {  	[dreg:$0x0] =	wrdreg $0xFFFFFFFF;
	(pc) =	sbr.abs _section_cstart, $3  }
0xc0: {  	[dreg:$0x1] =	wrdreg $0xFFFFFFFF  }
0xc1: {  	_ =	task.clear_ibuf [dreg:s6], $0x2FFFF;
	_ =	strace $0x9FFFFFFF  }
0xc2: {  	(tm) =	ssettm $0x7FFFFFFF  }
0xc3: {  	_ =	shalt  }
tec
execute0_lowered:
.L_overlay_start_1:
0x0: {  	(tag) =	ssettag $0x1  }
0x1: {  	s0 =	srdreg.scid;
	s1 =	rddreg [dreg:$0x0]  }
0x2: {  	s10 =	stileid.u32;
	s2 =	rddreg [dreg:$0x1];
	s3 =	simm.s32 $0x0  }
0x3: {  	s12 =	simm.s32 $0x6;
	s14 =	simm.s32 $0x80;
	s15 =	simm.s32 $0xA000  }
0x4: {  	s16 =	simm.s32 $0xC000;
	s18 =	simm.s32 $0xE000;
	s20 =	simm.s32 $0x10000  }
0x5: {  	s22 =	simm.s32 $0x12000;
	s28 =	simm.s32 $0x5;
	s29 =	simm.s32 $0x9D80  }
0x6: {  	s30 =	simm.s32 $0x9E00;
	s31 =	simm.s32 $0x9E80;
	s5 =	smul.u32 $0xA00, s10  }
0x7: {  	s13 =	simm.s32 $0x0;
	s0 =	sand.u32 $0x1, s0;
	s6 =	smul.u32 $0x9E00, s10  }
0x8: {  	[smem:$0x7FF] =	sst s3;
	s26 =	sshll.u32 s10, $0x6;
	s4 =	smul.u32 $0x13880, s0  }
0x9: {  	s7 =	smul.u32 $0x9E000, s0;
	_ =	strace $0x80000047;
	s0 =	ssub.s32 $0x2, s0  }
0xa: {  	s9 =	sadd.s32 s5, s1;
	s24 =	sshrl.u32 s6, $0x3;
	s25 =	sshrl.u32 s0, $0x1  }
0xb: {  	s11 =	sadd.s32 s6, s2;
	s8 =	sadd.s32 s4, s1;
	s23 =	sadd.s32 s6, s7  }
0xc: {  	s5 =	sadd.s32 s24, s1;
	s0 =	ssub.s32 s0, s25;
	s6 =	sadd.s32 $0x34000, s9  }
0xd: {  	s7 =	sadd.s32 $0x2A000, s9;
	s11 =	sshrl.u32 s11, $0x3;
	s24 =	simm.s32 $0x2  }
0xe: {  	s25 =	simm.s32 $0x3;
	s4 =	sshrl.u32 s23, $0x3;
	s8 =	sadd.s32 $0x2E00, s8  }
0xf: {  	s10 =	smax.u32 s0, $0x1;
	s23 =	simm.s32 $0x1;
	s0 =	simm.s32 $0x9F80  }
0x10: {  	s1 =	sadd.s32 s4, s1;
	s4 =	sadd.s32 $0x3E000, s5;
	s5 =	sor.u32 $0x1C06, s26  }
0x11: {  	s26 =	simm.s32 $0x4;
	s9 =	sadd.s32 $0x51C00, s1;
	s1 =	simm.s32 $0x9F00  }
.LBB2_1:
0x12: {  	[spmem:s11], [sflag:s5] =	dma.local [hbm:s4], $0x13C0  }
0x13: {  	_ =	swait.ge [sflag:s12], $0x13C0  }
0x14: {  	[sflag:s12] =	ssyncset.done $0x0  }
0x15: {  	[sflag:s12] =	ssyncadd.s32 $0xFFFFEC40  }
0x16: {  	[tilespmem:s3], [sflag:$0x6] =	stream.linear.gather [hbm4b:s6+s3], $0x5000, $0x38;
	[tilespmem:$0x1DE00] =	vst v63  }
0x17: {  	_ =	swait.ge [sflag:s12], $0x5000  }
0x18: {  	[sflag:s12] =	ssyncset.done $0x0  }
0x19: {  	s17 =	simm.s32 $0x5000;
	[sflag:s12] =	ssyncadd.s32 $0xFFFFB000  }
0x1a: {  	[tilespmem:s17], [sflag:$0x6] =	stream.linear.gather [hbm4b:s7+s3], $0x5000, $0x38;
	[tilespmem:$0x1DE00] =	vst v63  }
0x1b: {  	_ =	swait.ge [sflag:s12], $0x5000  }
0x1c: {  	[sflag:s12] =	ssyncset.done $0x0  }
0x1d: {  	[sflag:s12] =	ssyncadd.s32 $0xFFFFB000  }
0x1e: {  	[bflag:$0x0] =	sbarrier.arrive $0xFFFF  }
0x1f: {  	[tilespmem:s15], [sflag:$0x1] =	stream.indirect.gather [hbm4b:s8+s14], $0x40, s3, s14, $0xb8;
	[tilespmem:$0x1DE00] =	vst v63  }
0x20: {  	_ = 	snop  }
0x21: {  	[tilespmem:s16], [sflag:$0x2] =	stream.indirect.gather [hbm4b:s8+s14], $0x40, s14, s14, $0xb8;
	[tilespmem:$0x1DE00] =	vst v63  }
0x22: {  	s19 =	simm.s32 $0x100  }
0x23: {  	[tilespmem:s18], [sflag:$0x3] =	stream.indirect.gather [hbm4b:s8+s14], $0x40, s19, s14, $0xb8;
	[tilespmem:$0x1DE00] =	vst v63  }
0x24: {  	s21 =	simm.s32 $0x180  }
0x25: {  	[tilespmem:s20], [sflag:$0x4] =	stream.indirect.gather [hbm4b:s8+s14], $0x40, s21, s14, $0xb8;
	[tilespmem:$0x1DE00] =	vst v63  }
0x26: {  	s19 =	simm.s32 $0x200  }
0x27: {  	[tilespmem:s22], [sflag:$0x5] =	stream.indirect.gather [hbm4b:s8+s14], $0x40, s19, s14, $0xb8;
	[tilespmem:$0x1DE00] =	vst v63  }
0x28: {  	_ =	swait.ge [sflag:s23], $0x2000  }
0x29: {  	[sflag:s23] =	ssyncset.done $0x0  }
0x2a: {  	s21 =	simm.s32 $0x5000;
	[sflag:s23] =	ssyncadd.s32 $0xFFFFE000  }
0x2b: {  	[spmem:s2] =	stream.indirect.scatter.add.f32 [tilespmem:s15], [sflag:$0x6], $0x40, s21, s14, $0xb8;
	[tilespmem:$0x1DE00] =	vst v63  }
0x2c: {  	_ =	swait.ge [sflag:s12], $0x2000  }
0x2d: {  	[sflag:s12] =	ssyncset.done $0x0  }
0x2e: {  	s19 =	simm.s32 $0x280;
	[sflag:s12] =	ssyncadd.s32 $0xFFFFE000  }
0x2f: {  	[tilespmem:s15], [sflag:$0x1] =	stream.indirect.gather [hbm4b:s8+s14], $0x40, s19, s14, $0xb8;
	[tilespmem:$0x1DE00] =	vst v63  }
0x30: {  	_ =	swait.ge [sflag:s24], $0x2000  }
0x31: {  	[sflag:s24] =	ssyncset.done $0x0  }
0x32: {  	s21 =	simm.s32 $0x5080;
	[sflag:s24] =	ssyncadd.s32 $0xFFFFE000  }
0x33: {  	[spmem:s2] =	stream.indirect.scatter.add.f32 [tilespmem:s16], [sflag:$0x6], $0x40, s21, s14, $0xb8;
	[tilespmem:$0x1DE00] =	vst v63  }
0x34: {  	_ =	swait.ge [sflag:s12], $0x2000  }
0x35: {  	[sflag:s12] =	ssyncset.done $0x0  }
0x36: {  	s19 =	simm.s32 $0x300;
	[sflag:s12] =	ssyncadd.s32 $0xFFFFE000  }
0x37: {  	[tilespmem:s16], [sflag:$0x2] =	stream.indirect.gather [hbm4b:s8+s14], $0x40, s19, s14, $0xb8;
	[tilespmem:$0x1DE00] =	vst v63  }
0x38: {  	_ =	swait.ge [sflag:s25], $0x2000  }
0x39: {  	[sflag:s25] =	ssyncset.done $0x0  }
0x3a: {  	s21 =	simm.s32 $0x5100;
	[sflag:s25] =	ssyncadd.s32 $0xFFFFE000  }
0x3b: {  	[spmem:s2] =	stream.indirect.scatter.add.f32 [tilespmem:s18], [sflag:$0x6], $0x40, s21, s14, $0xb8;
	[tilespmem:$0x1DE00] =	vst v63  }
0x3c: {  	_ =	swait.ge [sflag:s12], $0x2000  }
0x3d: {  	[sflag:s12] =	ssyncset.done $0x0  }
0x3e: {  	s19 =	simm.s32 $0x380;
	[sflag:s12] =	ssyncadd.s32 $0xFFFFE000  }
0x3f: {  	[tilespmem:s18], [sflag:$0x3] =	stream.indirect.gather [hbm4b:s8+s14], $0x40, s19, s14, $0xb8;
	[tilespmem:$0x1DE00] =	vst v63  }
0x40: {  	_ =	swait.ge [sflag:s26], $0x2000  }
0x41: {  	[sflag:s26] =	ssyncset.done $0x0  }
0x42: {  	s21 =	simm.s32 $0x5180;
	[sflag:s26] =	ssyncadd.s32 $0xFFFFE000  }
0x43: {  	[spmem:s2] =	stream.indirect.scatter.add.f32 [tilespmem:s20], [sflag:$0x6], $0x40, s21, s14, $0xb8;
	[tilespmem:$0x1DE00] =	vst v63  }
0x44: {  	_ =	swait.ge [sflag:s12], $0x2000  }
0x45: {  	[sflag:s12] =	ssyncset.done $0x0  }
0x46: {  	s19 =	simm.s32 $0x400;
	[sflag:s12] =	ssyncadd.s32 $0xFFFFE000  }
0x47: {  	[tilespmem:s20], [sflag:$0x4] =	stream.indirect.gather [hbm4b:s8+s14], $0x40, s19, s14, $0xb8;
	[tilespmem:$0x1DE00] =	vst v63  }
0x48: {  	_ =	swait.ge [sflag:s28], $0x2000  }
0x49: {  	[sflag:s28] =	ssyncset.done $0x0  }
0x4a: {  	s21 =	simm.s32 $0x5200;
	[sflag:s28] =	ssyncadd.s32 $0xFFFFE000  }
0x4b: {  	[spmem:s2] =	stream.indirect.scatter.add.f32 [tilespmem:s22], [sflag:$0x6], $0x40, s21, s14, $0xb8;
	[tilespmem:$0x1DE00] =	vst v63  }
0x4c: {  	_ =	swait.ge [sflag:s12], $0x2000  }
0x4d: {  	[sflag:s12] =	ssyncset.done $0x0  }
0x4e: {  	s17 =	simm.s32 $0xA00;
	s19 =	simm.s32 $0x480;
	[sflag:s12] =	ssyncadd.s32 $0xFFFFE000  }
.LBB2_2:
0x4f: {  	[tilespmem:s22], [sflag:$0x5] =	stream.indirect.gather [hbm4b:s8+s14], $0x40, s19, s14, $0xb8;
	[tilespmem:$0x1DE00] =	vst v63  }
0x50: {  	s19 =	smov.u32 s17  }
0x51: {  	p0 =	sne.s32 s17, $0x12C00;
	s17 =	sadd.s32 $0xA00, s17;
	_ =	swait.ge [sflag:s23], $0x2000  }
0x52: {  	s19 =	sshra.s32 s19, $0x2;
	[sflag:s23] =	ssyncset.done $0x0  }
0x53: {  	s21 =	sadd.s32 $0x5000, s19;
	[sflag:s23] =	ssyncadd.s32 $0xFFFFE000  }
0x54: {  	[spmem:s2] =	stream.indirect.scatter.add.f32 [tilespmem:s15], [sflag:$0x6], $0x40, s21, s14, $0xb8;
	[tilespmem:$0x1DE00] =	vst v63  }
0x55: {  	_ =	swait.ge [sflag:s12], $0x2000  }
0x56: {  	[sflag:s12] =	ssyncset.done $0x0  }
0x57: {  	s21 =	sadd.s32 $0x280, s19;
	[sflag:s12] =	ssyncadd.s32 $0xFFFFE000  }
0x58: {  	[tilespmem:s15], [sflag:$0x1] =	stream.indirect.gather [hbm4b:s8+s14], $0x40, s21, s14, $0xb8;
	[tilespmem:$0x1DE00] =	vst v63  }
0x59: {  	_ =	swait.ge [sflag:s24], $0x2000  }
0x5a: {  	[sflag:s24] =	ssyncset.done $0x0  }
0x5b: {  	s21 =	sadd.s32 $0x5080, s19;
	[sflag:s24] =	ssyncadd.s32 $0xFFFFE000  }
0x5c: {  	[spmem:s2] =	stream.indirect.scatter.add.f32 [tilespmem:s16], [sflag:$0x6], $0x40, s21, s14, $0xb8;
	[tilespmem:$0x1DE00] =	vst v63  }
0x5d: {  	_ =	swait.ge [sflag:s12], $0x2000  }
0x5e: {  	[sflag:s12] =	ssyncset.done $0x0  }
0x5f: {  	s21 =	sadd.s32 $0x300, s19;
	[sflag:s12] =	ssyncadd.s32 $0xFFFFE000  }
0x60: {  	[tilespmem:s16], [sflag:$0x2] =	stream.indirect.gather [hbm4b:s8+s14], $0x40, s21, s14, $0xb8;
	[tilespmem:$0x1DE00] =	vst v63  }
0x61: {  	_ =	swait.ge [sflag:s25], $0x2000  }
0x62: {  	[sflag:s25] =	ssyncset.done $0x0  }
0x63: {  	s21 =	sadd.s32 $0x5100, s19;
	[sflag:s25] =	ssyncadd.s32 $0xFFFFE000  }
0x64: {  	[spmem:s2] =	stream.indirect.scatter.add.f32 [tilespmem:s18], [sflag:$0x6], $0x40, s21, s14, $0xb8;
	[tilespmem:$0x1DE00] =	vst v63  }
0x65: {  	_ =	swait.ge [sflag:s12], $0x2000  }
0x66: {  	[sflag:s12] =	ssyncset.done $0x0  }
0x67: {  	s21 =	sadd.s32 $0x380, s19;
	[sflag:s12] =	ssyncadd.s32 $0xFFFFE000  }
0x68: {  	[tilespmem:s18], [sflag:$0x3] =	stream.indirect.gather [hbm4b:s8+s14], $0x40, s21, s14, $0xb8;
	[tilespmem:$0x1DE00] =	vst v63  }
0x69: {  	_ =	swait.ge [sflag:s26], $0x2000  }
0x6a: {  	[sflag:s26] =	ssyncset.done $0x0  }
0x6b: {  	s21 =	sadd.s32 $0x5180, s19;
	[sflag:s26] =	ssyncadd.s32 $0xFFFFE000  }
0x6c: {  	[spmem:s2] =	stream.indirect.scatter.add.f32 [tilespmem:s20], [sflag:$0x6], $0x40, s21, s14, $0xb8;
	[tilespmem:$0x1DE00] =	vst v63  }
0x6d: {  	_ =	swait.ge [sflag:s12], $0x2000  }
0x6e: {  	[sflag:s12] =	ssyncset.done $0x0  }
0x6f: {  	s21 =	sadd.s32 $0x400, s19;
	[sflag:s12] =	ssyncadd.s32 $0xFFFFE000  }
0x70: {  	[tilespmem:s20], [sflag:$0x4] =	stream.indirect.gather [hbm4b:s8+s14], $0x40, s21, s14, $0xb8;
	[tilespmem:$0x1DE00] =	vst v63  }
0x71: {  	_ =	swait.ge [sflag:s28], $0x2000  }
0x72: {  	[sflag:s28] =	ssyncset.done $0x0  }
.Ltmp0:
0x73: {  	s21 =	sadd.s32 $0x5200, s19;
	[sflag:s28] =	ssyncadd.s32 $0xFFFFE000;
	(pc) =	sbr.rel @p0 .LBB2_2-.Ltmp0, $4  }
0x74: {  	[spmem:s2] =	stream.indirect.scatter.add.f32 [tilespmem:s22], [sflag:$0x6], $0x40, s21, s14, $0xb8;
	[tilespmem:$0x1DE00] =	vst v63  }
0x75: {  	_ =	swait.ge [sflag:s12], $0x2000  }
0x76: {  	[sflag:s12] =	ssyncset.done $0x0  }
0x77: {  	s19 =	sadd.s32 $0x480, s19;
	[sflag:s12] =	ssyncadd.s32 $0xFFFFE000  }
0x78: {  	[tilespmem:s22], [sflag:$0x5] =	stream.indirect.gather [hbm4b:s8+s14], $0x40, s19, s14, $0xb8;
	[tilespmem:$0x1DE00] =	vst v63  }
0x79: {  	_ =	swait.ge [sflag:s23], $0x2000  }
0x7a: {  	[sflag:s23] =	ssyncset.done $0x0  }
0x7b: {  	[sflag:s23] =	ssyncadd.s32 $0xFFFFE000  }
0x7c: {  	[spmem:s2] =	stream.indirect.scatter.add.f32 [tilespmem:s15], [sflag:$0x6], $0x40, s29, s14, $0xb8;
	[tilespmem:$0x1DE00] =	vst v63  }
0x7d: {  	_ =	swait.ge [sflag:s12], $0x2000  }
0x7e: {  	[sflag:s12] =	ssyncset.done $0x0  }
0x7f: {  	[sflag:s12] =	ssyncadd.s32 $0xFFFFE000  }
0x80: {  	_ =	swait.ge [sflag:s24], $0x2000  }
0x81: {  	[sflag:s24] =	ssyncset.done $0x0  }
0x82: {  	[sflag:s24] =	ssyncadd.s32 $0xFFFFE000  }
0x83: {  	[spmem:s2] =	stream.indirect.scatter.add.f32 [tilespmem:s16], [sflag:$0x6], $0x40, s30, s14, $0xb8;
	[tilespmem:$0x1DE00] =	vst v63  }
0x84: {  	_ =	swait.ge [sflag:s12], $0x2000  }
0x85: {  	[sflag:s12] =	ssyncset.done $0x0  }
0x86: {  	[sflag:s12] =	ssyncadd.s32 $0xFFFFE000  }
0x87: {  	_ =	swait.ge [sflag:s25], $0x2000  }
0x88: {  	[sflag:s25] =	ssyncset.done $0x0  }
0x89: {  	[sflag:s25] =	ssyncadd.s32 $0xFFFFE000  }
0x8a: {  	[spmem:s2] =	stream.indirect.scatter.add.f32 [tilespmem:s18], [sflag:$0x6], $0x40, s31, s14, $0xb8;
	[tilespmem:$0x1DE00] =	vst v63  }
0x8b: {  	_ =	swait.ge [sflag:s12], $0x2000  }
0x8c: {  	[sflag:s12] =	ssyncset.done $0x0  }
0x8d: {  	[sflag:s12] =	ssyncadd.s32 $0xFFFFE000  }
0x8e: {  	_ =	swait.ge [sflag:s26], $0x2000  }
0x8f: {  	[sflag:s26] =	ssyncset.done $0x0  }
0x90: {  	[sflag:s26] =	ssyncadd.s32 $0xFFFFE000  }
0x91: {  	[spmem:s2] =	stream.indirect.scatter.add.f32 [tilespmem:s20], [sflag:$0x6], $0x40, s1, s14, $0xb8;
	[tilespmem:$0x1DE00] =	vst v63  }
0x92: {  	_ =	swait.ge [sflag:s12], $0x2000  }
0x93: {  	[sflag:s12] =	ssyncset.done $0x0  }
0x94: {  	[sflag:s12] =	ssyncadd.s32 $0xFFFFE000  }
0x95: {  	_ =	swait.ge [sflag:s28], $0x2000  }
0x96: {  	[sflag:s28] =	ssyncset.done $0x0  }
0x97: {  	[sflag:s28] =	ssyncadd.s32 $0xFFFFE000  }
0x98: {  	[spmem:s2] =	stream.indirect.scatter.add.f32 [tilespmem:s22], [sflag:$0x6], $0x40, s0, s14, $0xb8;
	[tilespmem:$0x1DE00] =	vst v63  }
0x99: {  	_ =	swait.ge [sflag:s12], $0x2000  }
0x9a: {  	s13 =	sadd.s32 $0x1, s13;
	[sflag:s12] =	ssyncset.done $0x0  }
0x9b: {  	p0 =	sne.s32 s13, s10;
	[sflag:s12] =	ssyncadd.s32 $0xFFFFE000  }
.Ltmp1:
0x9c: {  	[bflag:$0x0] =	sbarrier.arrive $0xFFFF;
	(pc) =	sbr.rel @p0 .LBB2_1-.Ltmp1, $4  }
0x9d: {  	[hbm:s9], [sflag:s5] =	dma.local [spmem:s11], $0x13C0  }
0x9e: {  	_ =	swait.ge [sflag:s12], $0x13C0  }
0x9f: {  	[sflag:s12] =	ssyncset.done $0x0  }
0xa0: {  	[sflag:s12] =	ssyncadd.s32 $0xFFFFEC40  }
0xa1: {  	_ =	sfence.sel $0x180000  }
0xa2: {  	[bflag:$0x0] =	sbarrier.arrive $0xFFFF  }
0xa3: {  	_ =	strace $0x90000047  }
0xa4: {  	s0 =	stileid.u32;
	[bflag:$0x2] =	sbarrier.arrive $0xFFFF  }
0xa5: {  	p0 =	sne.s32 s0, $0x0;
	s0 =	rddreg [dreg:$0x2]  }
0xa6: {  	s0 =	sadd.s32 @!p0 $0x100000, s0  }
0xa7: {  	[sflag:s0] =	ssyncadd.tile.s32 @!p0 $0x1;
	_ =	shalt  }
.Lfunc_end2:
_tile_overlayer_lowered:
.L_overlay_start_2:
0xa8: {  	(tag) =	ssettag $0x2  }
0xa9: {  	s0 =	rddreg [dreg:$0x0];
	s2 =	stileid.u32  }
0xaa: {  	s1 =	rddreg [dreg:$0x1];
	p0 =	sne.s32 s2, $0x0  }
0xab: {  	s3 =	rddreg [dreg:$0x2];
	[bflag:$0x3] =	sbarrier.arrive $0xFFFF;
	s2 =	simm.s32 @!p0 $0x1C06  }
0xac: {  	[timem:s3], [sflag:s2] =	dma.local @!p0 [hbm:s0], s1  }
0xad: {  	s0 =	simm.s32 @!p0 $0x6  }
0xae: {  	_ =	swait.ge @!p0 [sflag:s0], s1  }
0xaf: {  	s1 =	ssub.s32 @!p0 $0x0, s1;
	[sflag:s0] =	ssyncset.done @!p0 $0x0  }
0xb0: {  	[sflag:s0] =	ssyncadd.s32 @!p0 s1  }
0xb1: {  	[bflag:$0x3] =	sbarrier.arrive $0xFFFF  }
0xb2: {  	_ =	shalt  }

</sc_bundles>
